<compile_context>
chip_gen: v7x
topology: tpu7x:2x2x1
jax: 0.10.2.dev20260603
libtpu: 0.0.44.dev20260713+nightly
codegen_flags: <defaults>
</compile_context>

<pallas_src>
import functools

import jax
import jax.numpy as jnp
from jax import lax
from jax.experimental import pallas as pl
from jax.experimental.pallas import tpu as pltpu
from jax.experimental.pallas import tpu_sc as plsc

N = 10000
E = 320000
D_IN = 128
D_HID = 128
D_OUT = 64

NC = 2
NS = 16
NW = NC * NS
EPW = E // NW
B = 125
KB = EPW // B
KBC = 40
NROWS = E // B
NP = 10240
RPT = NP // NS

_MESH = plsc.VectorSubcoreMesh(core_axis_name="c", subcore_axis_name="s")


def _make_deg(dw):

  @functools.partial(
      pl.kernel,
      mesh=_MESH,
      out_type=jax.ShapeDtypeStruct((NC, NP, dw), jnp.float32),
      scratch_types=[
          pltpu.VMEM((KBC, B), jnp.int32),
          pltpu.VMEM((B, dw), jnp.float32),
          pltpu.VMEM_SHARED((NP, dw), jnp.float32),
      ],
  )
  def k(dst_hbm, zeros_hbm, ones_hbm, out_hbm, dst_v, ones_v, acc_s):
    cid = lax.axis_index("c")
    sid = lax.axis_index("s")
    wid = sid * NC + cid
    pltpu.sync_copy(zeros_hbm.at[pl.ds(sid * RPT, RPT)],
                    acc_s.at[pl.ds(sid * RPT, RPT)])
    pltpu.sync_copy(ones_hbm, ones_v)
    plsc.subcore_barrier()

    def chunk(c, carry):
      pltpu.sync_copy(dst_hbm.at[pl.ds(wid * KB + c * KBC, KBC)], dst_v)

      def body(j, carry2):
        pltpu.sync_copy(ones_v, acc_s.at[dst_v.at[j]], add=True)
        return carry2

      lax.fori_loop(0, KBC, body, 0)
      return carry

    lax.fori_loop(0, KB // KBC, chunk, 0)
    plsc.subcore_barrier()
    pltpu.sync_copy(acc_s.at[pl.ds(sid * RPT, RPT)],
                    out_hbm.at[cid, pl.ds(sid * RPT, RPT)])

  return k


def _make_prop(d):

  @functools.partial(
      pl.kernel,
      mesh=_MESH,
      out_type=jax.ShapeDtypeStruct((NC, NP, d), jnp.float32),
      scratch_types=[
          pltpu.VMEM((KBC, B), jnp.int32),
          pltpu.VMEM((KBC, B), jnp.int32),
          pltpu.VMEM((2, B, d), jnp.float32),
          pltpu.VMEM_SHARED((NP, d), jnp.float32),
          pltpu.SemaphoreType.DMA,
      ],
  )
  def k(h_hbm, src_hbm, dst_hbm, zeros_hbm, out_hbm,
        src_v, dst_v, rows_v, acc_s, sem):
    cid = lax.axis_index("c")
    sid = lax.axis_index("s")
    wid = sid * NC + cid
    pltpu.sync_copy(zeros_hbm.at[pl.ds(sid * RPT, RPT)],
                    acc_s.at[pl.ds(sid * RPT, RPT)])
    plsc.subcore_barrier()

    def chunk(c, carry):
      pltpu.sync_copy(src_hbm.at[pl.ds(wid * KB + c * KBC, KBC)], src_v)
      pltpu.sync_copy(dst_hbm.at[pl.ds(wid * KB + c * KBC, KBC)], dst_v)
      pltpu.async_copy(h_hbm.at[src_v.at[0]], rows_v.at[0], sem)

      def body(j, carry2):
        p = lax.rem(j, 2)
        pltpu.make_async_copy(h_hbm.at[src_v.at[0]], rows_v.at[p],
                              sem).wait()

        @pl.when(j + 1 < KBC)
        def _():
          pltpu.async_copy(h_hbm.at[src_v.at[j + 1]], rows_v.at[1 - p], sem)

        pltpu.sync_copy(rows_v.at[p], acc_s.at[dst_v.at[j]], add=True)
        return carry2

      lax.fori_loop(0, KBC, body, 0)
      return carry

    lax.fori_loop(0, KB // KBC, chunk, 0)
    plsc.subcore_barrier()
    pltpu.sync_copy(acc_s.at[pl.ds(sid * RPT, RPT)],
                    out_hbm.at[cid, pl.ds(sid * RPT, RPT)])

  return k


DW = 128
_deg = _make_deg(DW)
_prop128 = _make_prop(D_HID)

_BM = 1000


def _tc1(degp, x, w1):

  def body(deg_ref, x_ref, w_ref, h_ref, dinv_ref):
    deg = (deg_ref[0] + deg_ref[1])[:, :1]
    dinv = lax.rsqrt(deg + 1.0)
    h = jnp.dot(x_ref[...], w_ref[...], preferred_element_type=jnp.float32)
    h_ref[...] = dinv * h
    dinv_ref[...] = dinv

  return pl.pallas_call(
      body,
      grid=(N // _BM,),
      in_specs=[
          pl.BlockSpec((NC, _BM, DW), lambda i: (0, i, 0)),
          pl.BlockSpec((_BM, D_IN), lambda i: (i, 0)),
          pl.BlockSpec((D_IN, D_HID), lambda i: (0, 0)),
      ],
      out_specs=[
          pl.BlockSpec((_BM, D_HID), lambda i: (i, 0)),
          pl.BlockSpec((_BM, 1), lambda i: (i, 0)),
      ],
      out_shape=[
          jax.ShapeDtypeStruct((N, D_HID), jnp.float32),
          jax.ShapeDtypeStruct((N, 1), jnp.float32),
      ],
  )(degp, x, w1)


def _tc2(acc1, h1p, dinv, b1, w2p):

  def body(acc_ref, h1p_ref, dinv_ref, b_ref, w_ref, o_ref):
    dinv = dinv_ref[...]
    t = dinv * (acc_ref[0] + acc_ref[1] + h1p_ref[...]) + b_ref[...]
    h = jnp.maximum(t, 0.0)
    o_ref[...] = dinv * jnp.dot(h, w_ref[...],
                                preferred_element_type=jnp.float32)

  return pl.pallas_call(
      body,
      grid=(N // _BM,),
      in_specs=[
          pl.BlockSpec((NC, _BM, D_HID), lambda i: (0, i, 0)),
          pl.BlockSpec((_BM, D_HID), lambda i: (i, 0)),
          pl.BlockSpec((_BM, 1), lambda i: (i, 0)),
          pl.BlockSpec((1, D_HID), lambda i: (0, 0)),
          pl.BlockSpec((D_HID, D_HID), lambda i: (0, 0)),
      ],
      out_specs=pl.BlockSpec((_BM, D_HID), lambda i: (i, 0)),
      out_shape=jax.ShapeDtypeStruct((N, D_HID), jnp.float32),
  )(acc1, h1p, dinv, b1, w2p)


def _tc3(acc2, h2p, dinv, b2):

  def body(acc_ref, h2p_ref, dinv_ref, b_ref, o_ref):
    t = dinv_ref[...] * (acc_ref[0] + acc_ref[1] + h2p_ref[...])
    o_ref[...] = t[:, :D_OUT] + b_ref[...]

  return pl.pallas_call(
      body,
      grid=(N // _BM,),
      in_specs=[
          pl.BlockSpec((NC, _BM, D_HID), lambda i: (0, i, 0)),
          pl.BlockSpec((_BM, D_HID), lambda i: (i, 0)),
          pl.BlockSpec((_BM, 1), lambda i: (i, 0)),
          pl.BlockSpec((1, D_OUT), lambda i: (0, 0)),
      ],
      out_specs=pl.BlockSpec((_BM, D_OUT), lambda i: (i, 0)),
      out_shape=jax.ShapeDtypeStruct((N, D_OUT), jnp.float32),
  )(acc2, h2p, dinv, b2)


def kernel(x, adjs, W1, b1, W2, b2):
  src2 = adjs[0].reshape(NROWS, B)
  dst2 = adjs[1].reshape(NROWS, B)
  zeros_hid = jnp.zeros((NP, D_HID), jnp.float32)
  zeros_dw = jnp.zeros((NP, DW), jnp.float32)
  ones_rows = jnp.ones((B, DW), jnp.float32)
  w2p = jnp.pad(W2, ((0, 0), (0, D_HID - D_OUT)))

  degp = _deg(dst2, zeros_dw, ones_rows)
  h1p, dinv = _tc1(degp, x, W1)
  acc1 = _prop128(h1p, src2, dst2, zeros_hid)
  h2p = _tc2(acc1, h1p, dinv, b1.reshape(1, D_HID), w2p)
  acc2 = _prop128(h2p, src2, dst2, zeros_hid)
  return _tc3(acc2, h2p, dinv, b2.reshape(1, D_OUT))

# --- scband reference (transcript-rebuilt; emitter-appended) ---
"""Pipeline reference for scband-gcn-7937099563688 (READ-ONLY COPY).

The authoritative reference and input builder live on the scoring server;
editing this copy changes nothing except your own understanding.
"""

import jax, jax.numpy as jnp
import numpy as np

N = 10000
E = 320000
D_IN = 128
D_HID = 128
D_OUT = 64


def setup_inputs(seed: int = 0) -> dict:
    key = jax.random.key(seed)
    k1, k2, k3, k4, k5, k6 = jax.random.split(key, 6)
    x = jax.random.normal(k1, (N, D_IN), dtype=jnp.float32)
    adjs = jax.random.randint(k2, (2, E), 0, N, dtype=jnp.int32)
    # learned parameters for 2 GCNConv layers (glorot-ish scaling)
    W1 = jax.random.normal(k3, (D_IN, D_HID), dtype=jnp.float32) * (1.0 / np.sqrt(D_IN))
    b1 = jnp.zeros((D_HID,), dtype=jnp.float32)
    W2 = jax.random.normal(k4, (D_HID, D_OUT), dtype=jnp.float32) * (1.0 / np.sqrt(D_HID))
    b2 = jnp.zeros((D_OUT,), dtype=jnp.float32)
    return {"x": x, "adjs": adjs, "W1": W1, "b1": b1, "W2": W2, "b2": b2}


def _gcn_conv(x, edge_index, W, b):
    # standard GCNConv: out = D^{-1/2} (A + I) D^{-1/2} X W + b
    n = x.shape[0]
    h = x @ W
    src = edge_index[0]
    dst = edge_index[1]
    loop = jnp.arange(n, dtype=src.dtype)
    src = jnp.concatenate([src, loop])
    dst = jnp.concatenate([dst, loop])
    deg = jnp.zeros((n,), dtype=x.dtype).at[dst].add(1.0)
    dinv = 1.0 / jnp.sqrt(jnp.maximum(deg, 1.0))
    norm = dinv[src] * dinv[dst]
    msgs = norm[:, None] * jnp.take(h, src, axis=0)
    out = jnp.zeros((n, h.shape[1]), dtype=x.dtype).at[dst].add(msgs)
    return out + b


def reference(x, adjs, W1, b1, W2, b2):
    # layer 0: conv -> relu (dropout p=0.0 is identity)
    h = _gcn_conv(x, adjs, W1, b1)
    h = jax.nn.relu(h)
    # layer 1 (final): conv only
    out = _gcn_conv(h, adjs, W2, b2)
    return out

if __name__ == "__main__":
    import jax
    _d = setup_inputs()
    print(jax.jit(kernel)(*tuple(_d.values())))

</pallas_src>

<mosaic_0001>
#map = affine_map<(d0, d1) -> (0, 0)>
#map1 = affine_map<(d0, d1) -> (0, 0, 0)>
module attributes {stable_mosaic.version = 14 : i64} {
  func.func @k(%arg0: i32, %arg1: i32, %arg2: memref<10000x128xf32, #tpu.memory_space<hbm>>, %arg3: memref<2560x125xi32, #tpu.memory_space<hbm>>, %arg4: memref<2560x125xi32, #tpu.memory_space<hbm>>, %arg5: memref<10240x128xf32, #tpu.memory_space<hbm>>, %arg6: memref<2x10240x128xf32, #tpu.memory_space<hbm>>, %arg7: memref<40x125xi32, #tpu.memory_space<vmem>>, %arg8: memref<40x125xi32, #tpu.memory_space<vmem>>, %arg9: memref<2x125x128xf32, #tpu.memory_space<vmem>>, %arg10: memref<10240x128xf32, #tpu.memory_space<vmem_shared>>, %arg11: memref<!tpu.dma_semaphore, #tpu.memory_space<semaphore_mem>>) attributes {dimension_semantics = [#tpu.dimension_semantics<core_parallel>, #tpu.dimension_semantics<subcore_parallel>], iteration_bounds = array<i64: 2, 16>, scalar_prefetch = 0 : i64, scratch_operands = 5 : i64, tpu.core_type = #tpu.core_type<sc_vector_subcore>, window_params = [{transform_indices = #map}, {transform_indices = #map}, {transform_indices = #map}, {transform_indices = #map}, {transform_indices = #map1}]} {
    %mul3A = arith.constant 2 : i32
    %mul3A_0 = arith.muli %arg1, %mul3A : i32
    %add3A = arith.addi %mul3A_0, %arg0 : i32
    %mul3A_1 = arith.constant 640 : i32
    %mul3A_2 = arith.muli %arg1, %mul3A_1 : i32
    %mul3A_3 = arith.constant 640 : i32
    %mul3A_4 = arith.muli %arg1, %mul3A_3 : i32
    "tpu.region"() ({
      %run_scoped3A = tpu.sem_alloc : memref<!tpu.dma_semaphore, #tpu.memory_space<semaphore_mem>>
      %dma_start3A = arith.constant 0 : i32
      %dma_start3A_15 = tpu.memref_slice %arg10[%mul3A_4, %dma_start3A] : memref<10240x128xf32, #tpu.memory_space<vmem_shared>> -> memref<640x128xf32, #tpu.memory_space<vmem_shared>>
      %dma_start3A_16 = arith.constant 0 : i32
      %dma_start3A_17 = tpu.memref_slice %arg5[%mul3A_2, %dma_start3A_16] : memref<10240x128xf32, #tpu.memory_space<hbm>> -> memref<640x128xf32, #tpu.memory_space<hbm>>
      tpu.enqueue_dma source(%dma_start3A_17 : memref<640x128xf32, #tpu.memory_space<hbm>>) target(%dma_start3A_15 : memref<640x128xf32, #tpu.memory_space<vmem_shared>>) target_semaphore(%run_scoped3A : memref<!tpu.dma_semaphore, #tpu.memory_space<semaphore_mem>>)
      %dma_wait3A = arith.constant 0 : i32
      %dma_wait3A_18 = tpu.memref_slice %arg10[%mul3A_4, %dma_wait3A] : memref<10240x128xf32, #tpu.memory_space<vmem_shared>> -> memref<640x128xf32, #tpu.memory_space<vmem_shared>>
      %dma_wait3A_19 = arith.constant 0 : i32
      %dma_wait3A_20 = tpu.memref_slice %arg5[%mul3A_2, %dma_wait3A_19] : memref<10240x128xf32, #tpu.memory_space<hbm>> -> memref<640x128xf32, #tpu.memory_space<hbm>>
      tpu.wait_dma2 semaphore(%run_scoped3A : memref<!tpu.dma_semaphore, #tpu.memory_space<semaphore_mem>>) src(%dma_wait3A_20 : memref<640x128xf32, #tpu.memory_space<hbm>>) dst(%dma_wait3A_18 : memref<640x128xf32, #tpu.memory_space<vmem_shared>>)
      tpu.yield
    }) : () -> ()
    %barrier3A = arith.constant 0 : index
    tpu.barrier barrier_id(%barrier3A)
    %scan3A = arith.constant 0 : i32
    %scan3A_5 = arith.constant 0 : i32
    %scan3A_6 = arith.constant 2 : i32
    %scan3A_7 = arith.addi %scan3A_5, %scan3A_6 : i32
    %scan3A_8 = arith.constant 1 : i32
    scf.for %scan3A_15 = %scan3A_5 to %scan3A_7 step %scan3A_8  : i32 {
      %mul3A_16 = arith.constant 80 : i32
      %mul3A_17 = arith.muli %add3A, %mul3A_16 : i32
      %mul3A_18 = arith.constant 40 : i32
      %mul3A_19 = arith.muli %scan3A_15, %mul3A_18 : i32
      %add3A_20 = arith.addi %mul3A_17, %mul3A_19 : i32
      "tpu.region"() ({
        %run_scoped3A = tpu.sem_alloc : memref<!tpu.dma_semaphore, #tpu.memory_space<semaphore_mem>>
        %dma_start3A_43 = arith.constant 0 : i32
        %dma_start3A_44 = tpu.memref_slice %arg3[%add3A_20, %dma_start3A_43] : memref<2560x125xi32, #tpu.memory_space<hbm>> -> memref<40x125xi32, #tpu.memory_space<hbm>>
        %dma_start3A_45 = arith.constant 0 : i32
        %dma_start3A_46 = tpu.memref_slice %arg3[%add3A_20, %dma_start3A_45] : memref<2560x125xi32, #tpu.memory_space<hbm>> -> memref<40x125xi32, #tpu.memory_space<hbm>>
        tpu.enqueue_dma source(%dma_start3A_46 : memref<40x125xi32, #tpu.memory_space<hbm>>) target(%arg7 : memref<40x125xi32, #tpu.memory_space<vmem>>) target_semaphore(%run_scoped3A : memref<!tpu.dma_semaphore, #tpu.memory_space<semaphore_mem>>)
        %dma_wait3A = arith.constant 0 : i32
        %dma_wait3A_47 = tpu.memref_slice %arg3[%add3A_20, %dma_wait3A] : memref<2560x125xi32, #tpu.memory_space<hbm>> -> memref<40x125xi32, #tpu.memory_space<hbm>>
        %dma_wait3A_48 = arith.constant 0 : i32
        %dma_wait3A_49 = tpu.memref_slice %arg3[%add3A_20, %dma_wait3A_48] : memref<2560x125xi32, #tpu.memory_space<hbm>> -> memref<40x125xi32, #tpu.memory_space<hbm>>
        tpu.wait_dma2 semaphore(%run_scoped3A : memref<!tpu.dma_semaphore, #tpu.memory_space<semaphore_mem>>) src(%dma_wait3A_49 : memref<40x125xi32, #tpu.memory_space<hbm>>) dst(%arg7 : memref<40x125xi32, #tpu.memory_space<vmem>>)
        tpu.yield
      }) : () -> ()
      %mul3A_21 = arith.constant 80 : i32
      %mul3A_22 = arith.muli %add3A, %mul3A_21 : i32
      %mul3A_23 = arith.constant 40 : i32
      %mul3A_24 = arith.muli %scan3A_15, %mul3A_23 : i32
      %add3A_25 = arith.addi %mul3A_22, %mul3A_24 : i32
      "tpu.region"() ({
        %run_scoped3A = tpu.sem_alloc : memref<!tpu.dma_semaphore, #tpu.memory_space<semaphore_mem>>
        %dma_start3A_43 = arith.constant 0 : i32
        %dma_start3A_44 = tpu.memref_slice %arg4[%add3A_25, %dma_start3A_43] : memref<2560x125xi32, #tpu.memory_space<hbm>> -> memref<40x125xi32, #tpu.memory_space<hbm>>
        %dma_start3A_45 = arith.constant 0 : i32
        %dma_start3A_46 = tpu.memref_slice %arg4[%add3A_25, %dma_start3A_45] : memref<2560x125xi32, #tpu.memory_space<hbm>> -> memref<40x125xi32, #tpu.memory_space<hbm>>
        tpu.enqueue_dma source(%dma_start3A_46 : memref<40x125xi32, #tpu.memory_space<hbm>>) target(%arg8 : memref<40x125xi32, #tpu.memory_space<vmem>>) target_semaphore(%run_scoped3A : memref<!tpu.dma_semaphore, #tpu.memory_space<semaphore_mem>>)
        %dma_wait3A = arith.constant 0 : i32
        %dma_wait3A_47 = tpu.memref_slice %arg4[%add3A_25, %dma_wait3A] : memref<2560x125xi32, #tpu.memory_space<hbm>> -> memref<40x125xi32, #tpu.memory_space<hbm>>
        %dma_wait3A_48 = arith.constant 0 : i32
        %dma_wait3A_49 = tpu.memref_slice %arg4[%add3A_25, %dma_wait3A_48] : memref<2560x125xi32, #tpu.memory_space<hbm>> -> memref<40x125xi32, #tpu.memory_space<hbm>>
        tpu.wait_dma2 semaphore(%run_scoped3A : memref<!tpu.dma_semaphore, #tpu.memory_space<semaphore_mem>>) src(%dma_wait3A_49 : memref<40x125xi32, #tpu.memory_space<hbm>>) dst(%arg8 : memref<40x125xi32, #tpu.memory_space<vmem>>)
        tpu.yield
      }) : () -> ()
      %dma_start3A = arith.constant 0 : i32
      %dma_start3A_26 = arith.constant 0 : i32
      %dma_start3A_27 = arith.constant 0 : i32
      %dma_start3A_28 = arith.constant 0 : i32
      %dma_start3A_29 = tpu.memref_slice %arg9[%dma_start3A_26, %dma_start3A_27, %dma_start3A_28] : memref<2x125x128xf32, #tpu.memory_space<vmem>> -> memref<1x125x128xf32, #tpu.memory_space<vmem>>
      %dma_start3A_30 = tpu.memref_squeeze %dma_start3A_29 : memref<1x125x128xf32, #tpu.memory_space<vmem>> -> memref<125x128xf32, #tpu.memory_space<vmem>>
      %dma_start3A_31 = arith.constant 0 : i32
      %dma_start3A_32 = tpu.memref_slice %arg7[%dma_start3A, %dma_start3A_31] : memref<40x125xi32, #tpu.memory_space<vmem>> -> memref<1x125xi32, #tpu.memory_space<vmem>>
      %dma_start3A_33 = tpu.memref_squeeze %dma_start3A_32 : memref<1x125xi32, #tpu.memory_space<vmem>> -> memref<125xi32, #tpu.memory_space<vmem>>
      %dma_start3A_34 = arith.constant 0 : i32
      %dma_start3A_35 = arith.constant 0 : i32
      %dma_start3A_36 = tpu.memref_slice %arg2[%dma_start3A_34, %dma_start3A_35] : memref<10000x128xf32, #tpu.memory_space<hbm>> -> memref<10000x128xf32, #tpu.memory_space<hbm>>
      tpu.enqueue_indirect_dma source(%dma_start3A_36 : memref<10000x128xf32, #tpu.memory_space<hbm>>) target(%dma_start3A_30 : memref<125x128xf32, #tpu.memory_space<vmem>>) offsets(%dma_start3A_33 : memref<125xi32, #tpu.memory_space<vmem>>) semaphore(%arg11 : memref<!tpu.dma_semaphore, #tpu.memory_space<semaphore_mem>>)
      %scan3A_37 = arith.constant 0 : i32
      %scan3A_38 = arith.constant 0 : i32
      %scan3A_39 = arith.constant 40 : i32
      %scan3A_40 = arith.addi %scan3A_38, %scan3A_39 : i32
      %scan3A_41 = arith.constant 1 : i32
      scf.for %scan3A_43 = %scan3A_38 to %scan3A_40 step %scan3A_41  : i32 {
        %rem3A = arith.constant 2 : i32
        %rem3A_44 = arith.remsi %scan3A_43, %rem3A : i32
        %dma_wait3A = arith.constant 0 : i32
        %dma_wait3A_45 = arith.constant 0 : i32
        %dma_wait3A_46 = arith.constant 0 : i32
        %dma_wait3A_47 = tpu.memref_slice %arg9[%rem3A_44, %dma_wait3A_45, %dma_wait3A_46] : memref<2x125x128xf32, #tpu.memory_space<vmem>> -> memref<1x125x128xf32, #tpu.memory_space<vmem>>
        %dma_wait3A_48 = tpu.memref_squeeze %dma_wait3A_47 : memref<1x125x128xf32, #tpu.memory_space<vmem>> -> memref<125x128xf32, #tpu.memory_space<vmem>>
        %dma_wait3A_49 = arith.constant 0 : i32
        %dma_wait3A_50 = tpu.memref_slice %arg7[%dma_wait3A, %dma_wait3A_49] : memref<40x125xi32, #tpu.memory_space<vmem>> -> memref<1x125xi32, #tpu.memory_space<vmem>>
        %dma_wait3A_51 = tpu.memref_squeeze %dma_wait3A_50 : memref<1x125xi32, #tpu.memory_space<vmem>> -> memref<125xi32, #tpu.memory_space<vmem>>
        %dma_wait3A_52 = arith.constant 0 : i32
        %dma_wait3A_53 = arith.constant 0 : i32
        %dma_wait3A_54 = tpu.memref_slice %arg2[%dma_wait3A_52, %dma_wait3A_53] : memref<10000x128xf32, #tpu.memory_space<hbm>> -> memref<10000x128xf32, #tpu.memory_space<hbm>>
        tpu.wait_indirect_dma semaphore(%arg11 : memref<!tpu.dma_semaphore, #tpu.memory_space<semaphore_mem>>) src(%dma_wait3A_54 : memref<10000x128xf32, #tpu.memory_space<hbm>>) dst(%dma_wait3A_48 : memref<125x128xf32, #tpu.memory_space<vmem>>)
        %add3A_55 = arith.constant 1 : i32
        %add3A_56 = arith.addi %scan3A_43, %add3A_55 : i32
        %lt3A = arith.constant 40 : i32
        %lt3A_57 = arith.cmpi slt, %add3A_56, %lt3A : i32
        %convert_element_type3A = arith.extui %lt3A_57 : i1 to i32
        %cond3A = arith.constant 0 : i32
        %cond3A_58 = arith.cmpi ne, %convert_element_type3A, %cond3A : i32
        scf.if %cond3A_58 {
          %add3A_59 = arith.constant 1 : i32
          %add3A_60 = arith.addi %scan3A_43, %add3A_59 : i32
          %sub3A = arith.constant 1 : i32
          %sub3A_61 = arith.subi %sub3A, %rem3A_44 : i32
          %dma_start3A_62 = arith.constant 0 : i32
          %dma_start3A_63 = arith.constant 0 : i32
          %dma_start3A_64 = tpu.memref_slice %arg9[%sub3A_61, %dma_start3A_62, %dma_start3A_63] : memref<2x125x128xf32, #tpu.memory_space<vmem>> -> memref<1x125x128xf32, #tpu.memory_space<vmem>>
          %dma_start3A_65 = tpu.memref_squeeze %dma_start3A_64 : memref<1x125x128xf32, #tpu.memory_space<vmem>> -> memref<125x128xf32, #tpu.memory_space<vmem>>
          %dma_start3A_66 = arith.constant 0 : i32
          %dma_start3A_67 = tpu.memref_slice %arg7[%add3A_60, %dma_start3A_66] : memref<40x125xi32, #tpu.memory_space<vmem>> -> memref<1x125xi32, #tpu.memory_space<vmem>>
          %dma_start3A_68 = tpu.memref_squeeze %dma_start3A_67 : memref<1x125xi32, #tpu.memory_space<vmem>> -> memref<125xi32, #tpu.memory_space<vmem>>
          %dma_start3A_69 = arith.constant 0 : i32
          %dma_start3A_70 = arith.constant 0 : i32
          %dma_start3A_71 = tpu.memref_slice %arg2[%dma_start3A_69, %dma_start3A_70] : memref<10000x128xf32, #tpu.memory_space<hbm>> -> memref<10000x128xf32, #tpu.memory_space<hbm>>
          tpu.enqueue_indirect_dma source(%dma_start3A_71 : memref<10000x128xf32, #tpu.memory_space<hbm>>) target(%dma_start3A_65 : memref<125x128xf32, #tpu.memory_space<vmem>>) offsets(%dma_start3A_68 : memref<125xi32, #tpu.memory_space<vmem>>) semaphore(%arg11 : memref<!tpu.dma_semaphore, #tpu.memory_space<semaphore_mem>>)
        } else {
        }
        "tpu.region"() ({
          %run_scoped3A = tpu.sem_alloc : memref<!tpu.dma_semaphore, #tpu.memory_space<semaphore_mem>>
          %dma_start3A_59 = arith.constant 0 : i32
          %dma_start3A_60 = arith.constant 0 : i32
          %dma_start3A_61 = tpu.memref_slice %arg9[%rem3A_44, %dma_start3A_59, %dma_start3A_60] : memref<2x125x128xf32, #tpu.memory_space<vmem>> -> memref<1x125x128xf32, #tpu.memory_space<vmem>>
          %dma_start3A_62 = tpu.memref_squeeze %dma_start3A_61 : memref<1x125x128xf32, #tpu.memory_space<vmem>> -> memref<125x128xf32, #tpu.memory_space<vmem>>
          %dma_start3A_63 = arith.constant 0 : i32
          %dma_start3A_64 = tpu.memref_slice %arg8[%scan3A_43, %dma_start3A_63] : memref<40x125xi32, #tpu.memory_space<vmem>> -> memref<1x125xi32, #tpu.memory_space<vmem>>
          %dma_start3A_65 = tpu.memref_squeeze %dma_start3A_64 : memref<1x125xi32, #tpu.memory_space<vmem>> -> memref<125xi32, #tpu.memory_space<vmem>>
          %dma_start3A_66 = arith.constant 0 : i32
          %dma_start3A_67 = arith.constant 0 : i32
          %dma_start3A_68 = tpu.memref_slice %arg10[%dma_start3A_66, %dma_start3A_67] : memref<10240x128xf32, #tpu.memory_space<vmem_shared>> -> memref<10240x128xf32, #tpu.memory_space<vmem_shared>>
          tpu.enqueue_indirect_dma source(%dma_start3A_62 : memref<125x128xf32, #tpu.memory_space<vmem>>) target(%dma_start3A_68 : memref<10240x128xf32, #tpu.memory_space<vmem_shared>>) offsets(%dma_start3A_65 : memref<125xi32, #tpu.memory_space<vmem>>) semaphore(%run_scoped3A : memref<!tpu.dma_semaphore, #tpu.memory_space<semaphore_mem>>) {add = true}
          %dma_wait3A_69 = arith.constant 0 : i32
          %dma_wait3A_70 = arith.constant 0 : i32
          %dma_wait3A_71 = tpu.memref_slice %arg9[%rem3A_44, %dma_wait3A_69, %dma_wait3A_70] : memref<2x125x128xf32, #tpu.memory_space<vmem>> -> memref<1x125x128xf32, #tpu.memory_space<vmem>>
          %dma_wait3A_72 = tpu.memref_squeeze %dma_wait3A_71 : memref<1x125x128xf32, #tpu.memory_space<vmem>> -> memref<125x128xf32, #tpu.memory_space<vmem>>
          %dma_wait3A_73 = arith.constant 0 : i32
          %dma_wait3A_74 = tpu.memref_slice %arg8[%scan3A_43, %dma_wait3A_73] : memref<40x125xi32, #tpu.memory_space<vmem>> -> memref<1x125xi32, #tpu.memory_space<vmem>>
          %dma_wait3A_75 = tpu.memref_squeeze %dma_wait3A_74 : memref<1x125xi32, #tpu.memory_space<vmem>> -> memref<125xi32, #tpu.memory_space<vmem>>
          %dma_wait3A_76 = arith.constant 0 : i32
          %dma_wait3A_77 = arith.constant 0 : i32
          %dma_wait3A_78 = tpu.memref_slice %arg10[%dma_wait3A_76, %dma_wait3A_77] : memref<10240x128xf32, #tpu.memory_space<vmem_shared>> -> memref<10240x128xf32, #tpu.memory_space<vmem_shared>>
          tpu.wait_indirect_dma semaphore(%run_scoped3A : memref<!tpu.dma_semaphore, #tpu.memory_space<semaphore_mem>>) src(%dma_wait3A_72 : memref<125x128xf32, #tpu.memory_space<vmem>>) dst(%dma_wait3A_78 : memref<10240x128xf32, #tpu.memory_space<vmem_shared>>)
          tpu.yield
        }) : () -> ()
      }
      %scan3A_42 = arith.constant 40 : i32
    }
    %scan3A_9 = arith.constant 2 : i32
    %barrier3A_10 = arith.constant 0 : index
    tpu.barrier barrier_id(%barrier3A_10)
    %mul3A_11 = arith.constant 640 : i32
    %mul3A_12 = arith.muli %arg1, %mul3A_11 : i32
    %mul3A_13 = arith.constant 640 : i32
    %mul3A_14 = arith.muli %arg1, %mul3A_13 : i32
    "tpu.region"() ({
      %run_scoped3A = tpu.sem_alloc : memref<!tpu.dma_semaphore, #tpu.memory_space<semaphore_mem>>
      %dma_start3A = arith.constant 0 : i32
      %dma_start3A_15 = tpu.memref_slice %arg6[%arg0, %mul3A_14, %dma_start3A] : memref<2x10240x128xf32, #tpu.memory_space<hbm>> -> memref<1x640x128xf32, #tpu.memory_space<hbm>>
      %dma_start3A_16 = tpu.memref_squeeze %dma_start3A_15 : memref<1x640x128xf32, #tpu.memory_space<hbm>> -> memref<640x128xf32, #tpu.memory_space<hbm>>
      %dma_start3A_17 = arith.constant 0 : i32
      %dma_start3A_18 = tpu.memref_slice %arg10[%mul3A_12, %dma_start3A_17] : memref<10240x128xf32, #tpu.memory_space<vmem_shared>> -> memref<640x128xf32, #tpu.memory_space<vmem_shared>>
      tpu.enqueue_dma source(%dma_start3A_18 : memref<640x128xf32, #tpu.memory_space<vmem_shared>>) target(%dma_start3A_16 : memref<640x128xf32, #tpu.memory_space<hbm>>) target_semaphore(%run_scoped3A : memref<!tpu.dma_semaphore, #tpu.memory_space<semaphore_mem>>)
      %dma_wait3A = arith.constant 0 : i32
      %dma_wait3A_19 = tpu.memref_slice %arg6[%arg0, %mul3A_14, %dma_wait3A] : memref<2x10240x128xf32, #tpu.memory_space<hbm>> -> memref<1x640x128xf32, #tpu.memory_space<hbm>>
      %dma_wait3A_20 = tpu.memref_squeeze %dma_wait3A_19 : memref<1x640x128xf32, #tpu.memory_space<hbm>> -> memref<640x128xf32, #tpu.memory_space<hbm>>
      %dma_wait3A_21 = arith.constant 0 : i32
      %dma_wait3A_22 = tpu.memref_slice %arg10[%mul3A_12, %dma_wait3A_21] : memref<10240x128xf32, #tpu.memory_space<vmem_shared>> -> memref<640x128xf32, #tpu.memory_space<vmem_shared>>
      tpu.wait_dma2 semaphore(%run_scoped3A : memref<!tpu.dma_semaphore, #tpu.memory_space<semaphore_mem>>) src(%dma_wait3A_22 : memref<640x128xf32, #tpu.memory_space<vmem_shared>>) dst(%dma_wait3A_20 : memref<640x128xf32, #tpu.memory_space<hbm>>)
      tpu.yield
    }) : () -> ()
    return
  }
}

#map = affine_map<(d0, d1) -> (0, 0)>
#map1 = affine_map<(d0, d1) -> (0, 0, 0)>
module attributes {stable_mosaic.version = 14 : i64} {
  func.func @k(%arg0: i32, %arg1: i32, %arg2: memref<2560x125xi32, #tpu.memory_space<hbm>>, %arg3: memref<10240x128xf32, #tpu.memory_space<hbm>>, %arg4: memref<125x128xf32, #tpu.memory_space<hbm>>, %arg5: memref<2x10240x128xf32, #tpu.memory_space<hbm>>, %arg6: memref<40x125xi32, #tpu.memory_space<vmem>>, %arg7: memref<125x128xf32, #tpu.memory_space<vmem>>, %arg8: memref<10240x128xf32, #tpu.memory_space<vmem_shared>>) attributes {dimension_semantics = [#tpu.dimension_semantics<core_parallel>, #tpu.dimension_semantics<subcore_parallel>], iteration_bounds = array<i64: 2, 16>, scalar_prefetch = 0 : i64, scratch_operands = 3 : i64, tpu.core_type = #tpu.core_type<sc_vector_subcore>, window_params = [{transform_indices = #map}, {transform_indices = #map}, {transform_indices = #map}, {transform_indices = #map1}]} {
    %mul3A = arith.constant 2 : i32
    %mul3A_0 = arith.muli %arg1, %mul3A : i32
    %add3A = arith.addi %mul3A_0, %arg0 : i32
    %mul3A_1 = arith.constant 640 : i32
    %mul3A_2 = arith.muli %arg1, %mul3A_1 : i32
    %mul3A_3 = arith.constant 640 : i32
    %mul3A_4 = arith.muli %arg1, %mul3A_3 : i32
    "tpu.region"() ({
      %run_scoped3A = tpu.sem_alloc : memref<!tpu.dma_semaphore, #tpu.memory_space<semaphore_mem>>
      %dma_start3A = arith.constant 0 : i32
      %dma_start3A_15 = tpu.memref_slice %arg8[%mul3A_4, %dma_start3A] : memref<10240x128xf32, #tpu.memory_space<vmem_shared>> -> memref<640x128xf32, #tpu.memory_space<vmem_shared>>
      %dma_start3A_16 = arith.constant 0 : i32
      %dma_start3A_17 = tpu.memref_slice %arg3[%mul3A_2, %dma_start3A_16] : memref<10240x128xf32, #tpu.memory_space<hbm>> -> memref<640x128xf32, #tpu.memory_space<hbm>>
      tpu.enqueue_dma source(%dma_start3A_17 : memref<640x128xf32, #tpu.memory_space<hbm>>) target(%dma_start3A_15 : memref<640x128xf32, #tpu.memory_space<vmem_shared>>) target_semaphore(%run_scoped3A : memref<!tpu.dma_semaphore, #tpu.memory_space<semaphore_mem>>)
      %dma_wait3A = arith.constant 0 : i32
      %dma_wait3A_18 = tpu.memref_slice %arg8[%mul3A_4, %dma_wait3A] : memref<10240x128xf32, #tpu.memory_space<vmem_shared>> -> memref<640x128xf32, #tpu.memory_space<vmem_shared>>
      %dma_wait3A_19 = arith.constant 0 : i32
      %dma_wait3A_20 = tpu.memref_slice %arg3[%mul3A_2, %dma_wait3A_19] : memref<10240x128xf32, #tpu.memory_space<hbm>> -> memref<640x128xf32, #tpu.memory_space<hbm>>
      tpu.wait_dma2 semaphore(%run_scoped3A : memref<!tpu.dma_semaphore, #tpu.memory_space<semaphore_mem>>) src(%dma_wait3A_20 : memref<640x128xf32, #tpu.memory_space<hbm>>) dst(%dma_wait3A_18 : memref<640x128xf32, #tpu.memory_space<vmem_shared>>)
      tpu.yield
    }) : () -> ()
    "tpu.region"() ({
      %run_scoped3A = tpu.sem_alloc : memref<!tpu.dma_semaphore, #tpu.memory_space<semaphore_mem>>
      tpu.enqueue_dma source(%arg4 : memref<125x128xf32, #tpu.memory_space<hbm>>) target(%arg7 : memref<125x128xf32, #tpu.memory_space<vmem>>) target_semaphore(%run_scoped3A : memref<!tpu.dma_semaphore, #tpu.memory_space<semaphore_mem>>)
      tpu.wait_dma2 semaphore(%run_scoped3A : memref<!tpu.dma_semaphore, #tpu.memory_space<semaphore_mem>>) src(%arg4 : memref<125x128xf32, #tpu.memory_space<hbm>>) dst(%arg7 : memref<125x128xf32, #tpu.memory_space<vmem>>)
      tpu.yield
    }) : () -> ()
    %barrier3A = arith.constant 0 : index
    tpu.barrier barrier_id(%barrier3A)
    %scan3A = arith.constant 0 : i32
    %scan3A_5 = arith.constant 0 : i32
    %scan3A_6 = arith.constant 2 : i32
    %scan3A_7 = arith.addi %scan3A_5, %scan3A_6 : i32
    %scan3A_8 = arith.constant 1 : i32
    scf.for %scan3A_15 = %scan3A_5 to %scan3A_7 step %scan3A_8  : i32 {
      %mul3A_16 = arith.constant 80 : i32
      %mul3A_17 = arith.muli %add3A, %mul3A_16 : i32
      %mul3A_18 = arith.constant 40 : i32
      %mul3A_19 = arith.muli %scan3A_15, %mul3A_18 : i32
      %add3A_20 = arith.addi %mul3A_17, %mul3A_19 : i32
      "tpu.region"() ({
        %run_scoped3A = tpu.sem_alloc : memref<!tpu.dma_semaphore, #tpu.memory_space<semaphore_mem>>
        %dma_start3A = arith.constant 0 : i32
        %dma_start3A_27 = tpu.memref_slice %arg2[%add3A_20, %dma_start3A] : memref<2560x125xi32, #tpu.memory_space<hbm>> -> memref<40x125xi32, #tpu.memory_space<hbm>>
        %dma_start3A_28 = arith.constant 0 : i32
        %dma_start3A_29 = tpu.memref_slice %arg2[%add3A_20, %dma_start3A_28] : memref<2560x125xi32, #tpu.memory_space<hbm>> -> memref<40x125xi32, #tpu.memory_space<hbm>>
        tpu.enqueue_dma source(%dma_start3A_29 : memref<40x125xi32, #tpu.memory_space<hbm>>) target(%arg6 : memref<40x125xi32, #tpu.memory_space<vmem>>) target_semaphore(%run_scoped3A : memref<!tpu.dma_semaphore, #tpu.memory_space<semaphore_mem>>)
        %dma_wait3A = arith.constant 0 : i32
        %dma_wait3A_30 = tpu.memref_slice %arg2[%add3A_20, %dma_wait3A] : memref<2560x125xi32, #tpu.memory_space<hbm>> -> memref<40x125xi32, #tpu.memory_space<hbm>>
        %dma_wait3A_31 = arith.constant 0 : i32
        %dma_wait3A_32 = tpu.memref_slice %arg2[%add3A_20, %dma_wait3A_31] : memref<2560x125xi32, #tpu.memory_space<hbm>> -> memref<40x125xi32, #tpu.memory_space<hbm>>
        tpu.wait_dma2 semaphore(%run_scoped3A : memref<!tpu.dma_semaphore, #tpu.memory_space<semaphore_mem>>) src(%dma_wait3A_32 : memref<40x125xi32, #tpu.memory_space<hbm>>) dst(%arg6 : memref<40x125xi32, #tpu.memory_space<vmem>>)
        tpu.yield
      }) : () -> ()
      %scan3A_21 = arith.constant 0 : i32
      %scan3A_22 = arith.constant 0 : i32
      %scan3A_23 = arith.constant 40 : i32
      %scan3A_24 = arith.addi %scan3A_22, %scan3A_23 : i32
      %scan3A_25 = arith.constant 1 : i32
      scf.for %scan3A_27 = %scan3A_22 to %scan3A_24 step %scan3A_25  : i32 {
        "tpu.region"() ({
          %run_scoped3A = tpu.sem_alloc : memref<!tpu.dma_semaphore, #tpu.memory_space<semaphore_mem>>
          %dma_start3A = arith.constant 0 : i32
          %dma_start3A_28 = tpu.memref_slice %arg6[%scan3A_27, %dma_start3A] : memref<40x125xi32, #tpu.memory_space<vmem>> -> memref<1x125xi32, #tpu.memory_space<vmem>>
          %dma_start3A_29 = tpu.memref_squeeze %dma_start3A_28 : memref<1x125xi32, #tpu.memory_space<vmem>> -> memref<125xi32, #tpu.memory_space<vmem>>
          %dma_start3A_30 = arith.constant 0 : i32
          %dma_start3A_31 = arith.constant 0 : i32
          %dma_start3A_32 = tpu.memref_slice %arg8[%dma_start3A_30, %dma_start3A_31] : memref<10240x128xf32, #tpu.memory_space<vmem_shared>> -> memref<10240x128xf32, #tpu.memory_space<vmem_shared>>
          tpu.enqueue_indirect_dma source(%arg7 : memref<125x128xf32, #tpu.memory_space<vmem>>) target(%dma_start3A_32 : memref<10240x128xf32, #tpu.memory_space<vmem_shared>>) offsets(%dma_start3A_29 : memref<125xi32, #tpu.memory_space<vmem>>) semaphore(%run_scoped3A : memref<!tpu.dma_semaphore, #tpu.memory_space<semaphore_mem>>) {add = true}
          %dma_wait3A = arith.constant 0 : i32
          %dma_wait3A_33 = tpu.memref_slice %arg6[%scan3A_27, %dma_wait3A] : memref<40x125xi32, #tpu.memory_space<vmem>> -> memref<1x125xi32, #tpu.memory_space<vmem>>
          %dma_wait3A_34 = tpu.memref_squeeze %dma_wait3A_33 : memref<1x125xi32, #tpu.memory_space<vmem>> -> memref<125xi32, #tpu.memory_space<vmem>>
          %dma_wait3A_35 = arith.constant 0 : i32
          %dma_wait3A_36 = arith.constant 0 : i32
          %dma_wait3A_37 = tpu.memref_slice %arg8[%dma_wait3A_35, %dma_wait3A_36] : memref<10240x128xf32, #tpu.memory_space<vmem_shared>> -> memref<10240x128xf32, #tpu.memory_space<vmem_shared>>
          tpu.wait_indirect_dma semaphore(%run_scoped3A : memref<!tpu.dma_semaphore, #tpu.memory_space<semaphore_mem>>) src(%arg7 : memref<125x128xf32, #tpu.memory_space<vmem>>) dst(%dma_wait3A_37 : memref<10240x128xf32, #tpu.memory_space<vmem_shared>>)
          tpu.yield
        }) : () -> ()
      }
      %scan3A_26 = arith.constant 40 : i32
    }
    %scan3A_9 = arith.constant 2 : i32
    %barrier3A_10 = arith.constant 0 : index
    tpu.barrier barrier_id(%barrier3A_10)
    %mul3A_11 = arith.constant 640 : i32
    %mul3A_12 = arith.muli %arg1, %mul3A_11 : i32
    %mul3A_13 = arith.constant 640 : i32
    %mul3A_14 = arith.muli %arg1, %mul3A_13 : i32
    "tpu.region"() ({
      %run_scoped3A = tpu.sem_alloc : memref<!tpu.dma_semaphore, #tpu.memory_space<semaphore_mem>>
      %dma_start3A = arith.constant 0 : i32
      %dma_start3A_15 = tpu.memref_slice %arg5[%arg0, %mul3A_14, %dma_start3A] : memref<2x10240x128xf32, #tpu.memory_space<hbm>> -> memref<1x640x128xf32, #tpu.memory_space<hbm>>
      %dma_start3A_16 = tpu.memref_squeeze %dma_start3A_15 : memref<1x640x128xf32, #tpu.memory_space<hbm>> -> memref<640x128xf32, #tpu.memory_space<hbm>>
      %dma_start3A_17 = arith.constant 0 : i32
      %dma_start3A_18 = tpu.memref_slice %arg8[%mul3A_12, %dma_start3A_17] : memref<10240x128xf32, #tpu.memory_space<vmem_shared>> -> memref<640x128xf32, #tpu.memory_space<vmem_shared>>
      tpu.enqueue_dma source(%dma_start3A_18 : memref<640x128xf32, #tpu.memory_space<vmem_shared>>) target(%dma_start3A_16 : memref<640x128xf32, #tpu.memory_space<hbm>>) target_semaphore(%run_scoped3A : memref<!tpu.dma_semaphore, #tpu.memory_space<semaphore_mem>>)
      %dma_wait3A = arith.constant 0 : i32
      %dma_wait3A_19 = tpu.memref_slice %arg5[%arg0, %mul3A_14, %dma_wait3A] : memref<2x10240x128xf32, #tpu.memory_space<hbm>> -> memref<1x640x128xf32, #tpu.memory_space<hbm>>
      %dma_wait3A_20 = tpu.memref_squeeze %dma_wait3A_19 : memref<1x640x128xf32, #tpu.memory_space<hbm>> -> memref<640x128xf32, #tpu.memory_space<hbm>>
      %dma_wait3A_21 = arith.constant 0 : i32
      %dma_wait3A_22 = tpu.memref_slice %arg8[%mul3A_12, %dma_wait3A_21] : memref<10240x128xf32, #tpu.memory_space<vmem_shared>> -> memref<640x128xf32, #tpu.memory_space<vmem_shared>>
      tpu.wait_dma2 semaphore(%run_scoped3A : memref<!tpu.dma_semaphore, #tpu.memory_space<semaphore_mem>>) src(%dma_wait3A_22 : memref<640x128xf32, #tpu.memory_space<vmem_shared>>) dst(%dma_wait3A_20 : memref<640x128xf32, #tpu.memory_space<hbm>>)
      tpu.yield
    }) : () -> ()
    return
  }
}

#map = affine_map<(d0, d1) -> (0, 0)>
#map1 = affine_map<(d0, d1) -> (0, 0, 0)>
module attributes {stable_mosaic.version = 14 : i64} {
  func.func @k(%arg0: i32, %arg1: i32, %arg2: memref<10000x128xf32, #tpu.memory_space<hbm>>, %arg3: memref<2560x125xi32, #tpu.memory_space<hbm>>, %arg4: memref<2560x125xi32, #tpu.memory_space<hbm>>, %arg5: memref<10240x128xf32, #tpu.memory_space<hbm>>, %arg6: memref<2x10240x128xf32, #tpu.memory_space<hbm>>, %arg7: memref<40x125xi32, #tpu.memory_space<vmem>>, %arg8: memref<40x125xi32, #tpu.memory_space<vmem>>, %arg9: memref<2x125x128xf32, #tpu.memory_space<vmem>>, %arg10: memref<10240x128xf32, #tpu.memory_space<vmem_shared>>, %arg11: memref<!tpu.dma_semaphore, #tpu.memory_space<semaphore_mem>>) attributes {dimension_semantics = [#tpu.dimension_semantics<core_parallel>, #tpu.dimension_semantics<subcore_parallel>], iteration_bounds = array<i64: 2, 16>, scalar_prefetch = 0 : i64, scratch_operands = 5 : i64, tpu.core_type = #tpu.core_type<sc_vector_subcore>, window_params = [{transform_indices = #map}, {transform_indices = #map}, {transform_indices = #map}, {transform_indices = #map}, {transform_indices = #map1}]} {
    %mul3A = arith.constant 2 : i32
    %mul3A_0 = arith.muli %arg1, %mul3A : i32
    %add3A = arith.addi %mul3A_0, %arg0 : i32
    %mul3A_1 = arith.constant 640 : i32
    %mul3A_2 = arith.muli %arg1, %mul3A_1 : i32
    %mul3A_3 = arith.constant 640 : i32
    %mul3A_4 = arith.muli %arg1, %mul3A_3 : i32
    "tpu.region"() ({
      %run_scoped3A = tpu.sem_alloc : memref<!tpu.dma_semaphore, #tpu.memory_space<semaphore_mem>>
      %dma_start3A = arith.constant 0 : i32
      %dma_start3A_15 = tpu.memref_slice %arg10[%mul3A_4, %dma_start3A] : memref<10240x128xf32, #tpu.memory_space<vmem_shared>> -> memref<640x128xf32, #tpu.memory_space<vmem_shared>>
      %dma_start3A_16 = arith.constant 0 : i32
      %dma_start3A_17 = tpu.memref_slice %arg5[%mul3A_2, %dma_start3A_16] : memref<10240x128xf32, #tpu.memory_space<hbm>> -> memref<640x128xf32, #tpu.memory_space<hbm>>
      tpu.enqueue_dma source(%dma_start3A_17 : memref<640x128xf32, #tpu.memory_space<hbm>>) target(%dma_start3A_15 : memref<640x128xf32, #tpu.memory_space<vmem_shared>>) target_semaphore(%run_scoped3A : memref<!tpu.dma_semaphore, #tpu.memory_space<semaphore_mem>>)
      %dma_wait3A = arith.constant 0 : i32
      %dma_wait3A_18 = tpu.memref_slice %arg10[%mul3A_4, %dma_wait3A] : memref<10240x128xf32, #tpu.memory_space<vmem_shared>> -> memref<640x128xf32, #tpu.memory_space<vmem_shared>>
      %dma_wait3A_19 = arith.constant 0 : i32
      %dma_wait3A_20 = tpu.memref_slice %arg5[%mul3A_2, %dma_wait3A_19] : memref<10240x128xf32, #tpu.memory_space<hbm>> -> memref<640x128xf32, #tpu.memory_space<hbm>>
      tpu.wait_dma2 semaphore(%run_scoped3A : memref<!tpu.dma_semaphore, #tpu.memory_space<semaphore_mem>>) src(%dma_wait3A_20 : memref<640x128xf32, #tpu.memory_space<hbm>>) dst(%dma_wait3A_18 : memref<640x128xf32, #tpu.memory_space<vmem_shared>>)
      tpu.yield
    }) : () -> ()
    %barrier3A = arith.constant 0 : index
    tpu.barrier barrier_id(%barrier3A)
    %scan3A = arith.constant 0 : i32
    %scan3A_5 = arith.constant 0 : i32
    %scan3A_6 = arith.constant 2 : i32
    %scan3A_7 = arith.addi %scan3A_5, %scan3A_6 : i32
    %scan3A_8 = arith.constant 1 : i32
    scf.for %scan3A_15 = %scan3A_5 to %scan3A_7 step %scan3A_8  : i32 {
      %mul3A_16 = arith.constant 80 : i32
      %mul3A_17 = arith.muli %add3A, %mul3A_16 : i32
      %mul3A_18 = arith.constant 40 : i32
      %mul3A_19 = arith.muli %scan3A_15, %mul3A_18 : i32
      %add3A_20 = arith.addi %mul3A_17, %mul3A_19 : i32
      "tpu.region"() ({
        %run_scoped3A = tpu.sem_alloc : memref<!tpu.dma_semaphore, #tpu.memory_space<semaphore_mem>>
        %dma_start3A_43 = arith.constant 0 : i32
        %dma_start3A_44 = tpu.memref_slice %arg3[%add3A_20, %dma_start3A_43] : memref<2560x125xi32, #tpu.memory_space<hbm>> -> memref<40x125xi32, #tpu.memory_space<hbm>>
        %dma_start3A_45 = arith.constant 0 : i32
        %dma_start3A_46 = tpu.memref_slice %arg3[%add3A_20, %dma_start3A_45] : memref<2560x125xi32, #tpu.memory_space<hbm>> -> memref<40x125xi32, #tpu.memory_space<hbm>>
        tpu.enqueue_dma source(%dma_start3A_46 : memref<40x125xi32, #tpu.memory_space<hbm>>) target(%arg7 : memref<40x125xi32, #tpu.memory_space<vmem>>) target_semaphore(%run_scoped3A : memref<!tpu.dma_semaphore, #tpu.memory_space<semaphore_mem>>)
        %dma_wait3A = arith.constant 0 : i32
        %dma_wait3A_47 = tpu.memref_slice %arg3[%add3A_20, %dma_wait3A] : memref<2560x125xi32, #tpu.memory_space<hbm>> -> memref<40x125xi32, #tpu.memory_space<hbm>>
        %dma_wait3A_48 = arith.constant 0 : i32
        %dma_wait3A_49 = tpu.memref_slice %arg3[%add3A_20, %dma_wait3A_48] : memref<2560x125xi32, #tpu.memory_space<hbm>> -> memref<40x125xi32, #tpu.memory_space<hbm>>
        tpu.wait_dma2 semaphore(%run_scoped3A : memref<!tpu.dma_semaphore, #tpu.memory_space<semaphore_mem>>) src(%dma_wait3A_49 : memref<40x125xi32, #tpu.memory_space<hbm>>) dst(%arg7 : memref<40x125xi32, #tpu.memory_space<vmem>>)
        tpu.yield
      }) : () -> ()
      %mul3A_21 = arith.constant 80 : i32
      %mul3A_22 = arith.muli %add3A, %mul3A_21 : i32
      %mul3A_23 = arith.constant 40 : i32
      %mul3A_24 = arith.muli %scan3A_15, %mul3A_23 : i32
      %add3A_25 = arith.addi %mul3A_22, %mul3A_24 : i32
      "tpu.region"() ({
        %run_scoped3A = tpu.sem_alloc : memref<!tpu.dma_semaphore, #tpu.memory_space<semaphore_mem>>
        %dma_start3A_43 = arith.constant 0 : i32
        %dma_start3A_44 = tpu.memref_slice %arg4[%add3A_25, %dma_start3A_43] : memref<2560x125xi32, #tpu.memory_space<hbm>> -> memref<40x125xi32, #tpu.memory_space<hbm>>
        %dma_start3A_45 = arith.constant 0 : i32
        %dma_start3A_46 = tpu.memref_slice %arg4[%add3A_25, %dma_start3A_45] : memref<2560x125xi32, #tpu.memory_space<hbm>> -> memref<40x125xi32, #tpu.memory_space<hbm>>
        tpu.enqueue_dma source(%dma_start3A_46 : memref<40x125xi32, #tpu.memory_space<hbm>>) target(%arg8 : memref<40x125xi32, #tpu.memory_space<vmem>>) target_semaphore(%run_scoped3A : memref<!tpu.dma_semaphore, #tpu.memory_space<semaphore_mem>>)
        %dma_wait3A = arith.constant 0 : i32
        %dma_wait3A_47 = tpu.memref_slice %arg4[%add3A_25, %dma_wait3A] : memref<2560x125xi32, #tpu.memory_space<hbm>> -> memref<40x125xi32, #tpu.memory_space<hbm>>
        %dma_wait3A_48 = arith.constant 0 : i32
        %dma_wait3A_49 = tpu.memref_slice %arg4[%add3A_25, %dma_wait3A_48] : memref<2560x125xi32, #tpu.memory_space<hbm>> -> memref<40x125xi32, #tpu.memory_space<hbm>>
        tpu.wait_dma2 semaphore(%run_scoped3A : memref<!tpu.dma_semaphore, #tpu.memory_space<semaphore_mem>>) src(%dma_wait3A_49 : memref<40x125xi32, #tpu.memory_space<hbm>>) dst(%arg8 : memref<40x125xi32, #tpu.memory_space<vmem>>)
        tpu.yield
      }) : () -> ()
      %dma_start3A = arith.constant 0 : i32
      %dma_start3A_26 = arith.constant 0 : i32
      %dma_start3A_27 = arith.constant 0 : i32
      %dma_start3A_28 = arith.constant 0 : i32
      %dma_start3A_29 = tpu.memref_slice %arg9[%dma_start3A_26, %dma_start3A_27, %dma_start3A_28] : memref<2x125x128xf32, #tpu.memory_space<vmem>> -> memref<1x125x128xf32, #tpu.memory_space<vmem>>
      %dma_start3A_30 = tpu.memref_squeeze %dma_start3A_29 : memref<1x125x128xf32, #tpu.memory_space<vmem>> -> memref<125x128xf32, #tpu.memory_space<vmem>>
      %dma_start3A_31 = arith.constant 0 : i32
      %dma_start3A_32 = tpu.memref_slice %arg7[%dma_start3A, %dma_start3A_31] : memref<40x125xi32, #tpu.memory_space<vmem>> -> memref<1x125xi32, #tpu.memory_space<vmem>>
      %dma_start3A_33 = tpu.memref_squeeze %dma_start3A_32 : memref<1x125xi32, #tpu.memory_space<vmem>> -> memref<125xi32, #tpu.memory_space<vmem>>
      %dma_start3A_34 = arith.constant 0 : i32
      %dma_start3A_35 = arith.constant 0 : i32
      %dma_start3A_36 = tpu.memref_slice %arg2[%dma_start3A_34, %dma_start3A_35] : memref<10000x128xf32, #tpu.memory_space<hbm>> -> memref<10000x128xf32, #tpu.memory_space<hbm>>
      tpu.enqueue_indirect_dma source(%dma_start3A_36 : memref<10000x128xf32, #tpu.memory_space<hbm>>) target(%dma_start3A_30 : memref<125x128xf32, #tpu.memory_space<vmem>>) offsets(%dma_start3A_33 : memref<125xi32, #tpu.memory_space<vmem>>) semaphore(%arg11 : memref<!tpu.dma_semaphore, #tpu.memory_space<semaphore_mem>>)
      %scan3A_37 = arith.constant 0 : i32
      %scan3A_38 = arith.constant 0 : i32
      %scan3A_39 = arith.constant 40 : i32
      %scan3A_40 = arith.addi %scan3A_38, %scan3A_39 : i32
      %scan3A_41 = arith.constant 1 : i32
      scf.for %scan3A_43 = %scan3A_38 to %scan3A_40 step %scan3A_41  : i32 {
        %rem3A = arith.constant 2 : i32
        %rem3A_44 = arith.remsi %scan3A_43, %rem3A : i32
        %dma_wait3A = arith.constant 0 : i32
        %dma_wait3A_45 = arith.constant 0 : i32
        %dma_wait3A_46 = arith.constant 0 : i32
        %dma_wait3A_47 = tpu.memref_slice %arg9[%rem3A_44, %dma_wait3A_45, %dma_wait3A_46] : memref<2x125x128xf32, #tpu.memory_space<vmem>> -> memref<1x125x128xf32, #tpu.memory_space<vmem>>
        %dma_wait3A_48 = tpu.memref_squeeze %dma_wait3A_47 : memref<1x125x128xf32, #tpu.memory_space<vmem>> -> memref<125x128xf32, #tpu.memory_space<vmem>>
        %dma_wait3A_49 = arith.constant 0 : i32
        %dma_wait3A_50 = tpu.memref_slice %arg7[%dma_wait3A, %dma_wait3A_49] : memref<40x125xi32, #tpu.memory_space<vmem>> -> memref<1x125xi32, #tpu.memory_space<vmem>>
        %dma_wait3A_51 = tpu.memref_squeeze %dma_wait3A_50 : memref<1x125xi32, #tpu.memory_space<vmem>> -> memref<125xi32, #tpu.memory_space<vmem>>
        %dma_wait3A_52 = arith.constant 0 : i32
        %dma_wait3A_53 = arith.constant 0 : i32
        %dma_wait3A_54 = tpu.memref_slice %arg2[%dma_wait3A_52, %dma_wait3A_53] : memref<10000x128xf32, #tpu.memory_space<hbm>> -> memref<10000x128xf32, #tpu.memory_space<hbm>>
        tpu.wait_indirect_dma semaphore(%arg11 : memref<!tpu.dma_semaphore, #tpu.memory_space<semaphore_mem>>) src(%dma_wait3A_54 : memref<10000x128xf32, #tpu.memory_space<hbm>>) dst(%dma_wait3A_48 : memref<125x128xf32, #tpu.memory_space<vmem>>)
        %add3A_55 = arith.constant 1 : i32
        %add3A_56 = arith.addi %scan3A_43, %add3A_55 : i32
        %lt3A = arith.constant 40 : i32
        %lt3A_57 = arith.cmpi slt, %add3A_56, %lt3A : i32
        %convert_element_type3A = arith.extui %lt3A_57 : i1 to i32
        %cond3A = arith.constant 0 : i32
        %cond3A_58 = arith.cmpi ne, %convert_element_type3A, %cond3A : i32
        scf.if %cond3A_58 {
          %add3A_59 = arith.constant 1 : i32
          %add3A_60 = arith.addi %scan3A_43, %add3A_59 : i32
          %sub3A = arith.constant 1 : i32
          %sub3A_61 = arith.subi %sub3A, %rem3A_44 : i32
          %dma_start3A_62 = arith.constant 0 : i32
          %dma_start3A_63 = arith.constant 0 : i32
          %dma_start3A_64 = tpu.memref_slice %arg9[%sub3A_61, %dma_start3A_62, %dma_start3A_63] : memref<2x125x128xf32, #tpu.memory_space<vmem>> -> memref<1x125x128xf32, #tpu.memory_space<vmem>>
          %dma_start3A_65 = tpu.memref_squeeze %dma_start3A_64 : memref<1x125x128xf32, #tpu.memory_space<vmem>> -> memref<125x128xf32, #tpu.memory_space<vmem>>
          %dma_start3A_66 = arith.constant 0 : i32
          %dma_start3A_67 = tpu.memref_slice %arg7[%add3A_60, %dma_start3A_66] : memref<40x125xi32, #tpu.memory_space<vmem>> -> memref<1x125xi32, #tpu.memory_space<vmem>>
          %dma_start3A_68 = tpu.memref_squeeze %dma_start3A_67 : memref<1x125xi32, #tpu.memory_space<vmem>> -> memref<125xi32, #tpu.memory_space<vmem>>
          %dma_start3A_69 = arith.constant 0 : i32
          %dma_start3A_70 = arith.constant 0 : i32
          %dma_start3A_71 = tpu.memref_slice %arg2[%dma_start3A_69, %dma_start3A_70] : memref<10000x128xf32, #tpu.memory_space<hbm>> -> memref<10000x128xf32, #tpu.memory_space<hbm>>
          tpu.enqueue_indirect_dma source(%dma_start3A_71 : memref<10000x128xf32, #tpu.memory_space<hbm>>) target(%dma_start3A_65 : memref<125x128xf32, #tpu.memory_space<vmem>>) offsets(%dma_start3A_68 : memref<125xi32, #tpu.memory_space<vmem>>) semaphore(%arg11 : memref<!tpu.dma_semaphore, #tpu.memory_space<semaphore_mem>>)
        } else {
        }
        "tpu.region"() ({
          %run_scoped3A = tpu.sem_alloc : memref<!tpu.dma_semaphore, #tpu.memory_space<semaphore_mem>>
          %dma_start3A_59 = arith.constant 0 : i32
          %dma_start3A_60 = arith.constant 0 : i32
          %dma_start3A_61 = tpu.memref_slice %arg9[%rem3A_44, %dma_start3A_59, %dma_start3A_60] : memref<2x125x128xf32, #tpu.memory_space<vmem>> -> memref<1x125x128xf32, #tpu.memory_space<vmem>>
          %dma_start3A_62 = tpu.memref_squeeze %dma_start3A_61 : memref<1x125x128xf32, #tpu.memory_space<vmem>> -> memref<125x128xf32, #tpu.memory_space<vmem>>
          %dma_start3A_63 = arith.constant 0 : i32
          %dma_start3A_64 = tpu.memref_slice %arg8[%scan3A_43, %dma_start3A_63] : memref<40x125xi32, #tpu.memory_space<vmem>> -> memref<1x125xi32, #tpu.memory_space<vmem>>
          %dma_start3A_65 = tpu.memref_squeeze %dma_start3A_64 : memref<1x125xi32, #tpu.memory_space<vmem>> -> memref<125xi32, #tpu.memory_space<vmem>>
          %dma_start3A_66 = arith.constant 0 : i32
          %dma_start3A_67 = arith.constant 0 : i32
          %dma_start3A_68 = tpu.memref_slice %arg10[%dma_start3A_66, %dma_start3A_67] : memref<10240x128xf32, #tpu.memory_space<vmem_shared>> -> memref<10240x128xf32, #tpu.memory_space<vmem_shared>>
          tpu.enqueue_indirect_dma source(%dma_start3A_62 : memref<125x128xf32, #tpu.memory_space<vmem>>) target(%dma_start3A_68 : memref<10240x128xf32, #tpu.memory_space<vmem_shared>>) offsets(%dma_start3A_65 : memref<125xi32, #tpu.memory_space<vmem>>) semaphore(%run_scoped3A : memref<!tpu.dma_semaphore, #tpu.memory_space<semaphore_mem>>) {add = true}
          %dma_wait3A_69 = arith.constant 0 : i32
          %dma_wait3A_70 = arith.constant 0 : i32
          %dma_wait3A_71 = tpu.memref_slice %arg9[%rem3A_44, %dma_wait3A_69, %dma_wait3A_70] : memref<2x125x128xf32, #tpu.memory_space<vmem>> -> memref<1x125x128xf32, #tpu.memory_space<vmem>>
          %dma_wait3A_72 = tpu.memref_squeeze %dma_wait3A_71 : memref<1x125x128xf32, #tpu.memory_space<vmem>> -> memref<125x128xf32, #tpu.memory_space<vmem>>
          %dma_wait3A_73 = arith.constant 0 : i32
          %dma_wait3A_74 = tpu.memref_slice %arg8[%scan3A_43, %dma_wait3A_73] : memref<40x125xi32, #tpu.memory_space<vmem>> -> memref<1x125xi32, #tpu.memory_space<vmem>>
          %dma_wait3A_75 = tpu.memref_squeeze %dma_wait3A_74 : memref<1x125xi32, #tpu.memory_space<vmem>> -> memref<125xi32, #tpu.memory_space<vmem>>
          %dma_wait3A_76 = arith.constant 0 : i32
          %dma_wait3A_77 = arith.constant 0 : i32
          %dma_wait3A_78 = tpu.memref_slice %arg10[%dma_wait3A_76, %dma_wait3A_77] : memref<10240x128xf32, #tpu.memory_space<vmem_shared>> -> memref<10240x128xf32, #tpu.memory_space<vmem_shared>>
          tpu.wait_indirect_dma semaphore(%run_scoped3A : memref<!tpu.dma_semaphore, #tpu.memory_space<semaphore_mem>>) src(%dma_wait3A_72 : memref<125x128xf32, #tpu.memory_space<vmem>>) dst(%dma_wait3A_78 : memref<10240x128xf32, #tpu.memory_space<vmem_shared>>)
          tpu.yield
        }) : () -> ()
      }
      %scan3A_42 = arith.constant 40 : i32
    }
    %scan3A_9 = arith.constant 2 : i32
    %barrier3A_10 = arith.constant 0 : index
    tpu.barrier barrier_id(%barrier3A_10)
    %mul3A_11 = arith.constant 640 : i32
    %mul3A_12 = arith.muli %arg1, %mul3A_11 : i32
    %mul3A_13 = arith.constant 640 : i32
    %mul3A_14 = arith.muli %arg1, %mul3A_13 : i32
    "tpu.region"() ({
      %run_scoped3A = tpu.sem_alloc : memref<!tpu.dma_semaphore, #tpu.memory_space<semaphore_mem>>
      %dma_start3A = arith.constant 0 : i32
      %dma_start3A_15 = tpu.memref_slice %arg6[%arg0, %mul3A_14, %dma_start3A] : memref<2x10240x128xf32, #tpu.memory_space<hbm>> -> memref<1x640x128xf32, #tpu.memory_space<hbm>>
      %dma_start3A_16 = tpu.memref_squeeze %dma_start3A_15 : memref<1x640x128xf32, #tpu.memory_space<hbm>> -> memref<640x128xf32, #tpu.memory_space<hbm>>
      %dma_start3A_17 = arith.constant 0 : i32
      %dma_start3A_18 = tpu.memref_slice %arg10[%mul3A_12, %dma_start3A_17] : memref<10240x128xf32, #tpu.memory_space<vmem_shared>> -> memref<640x128xf32, #tpu.memory_space<vmem_shared>>
      tpu.enqueue_dma source(%dma_start3A_18 : memref<640x128xf32, #tpu.memory_space<vmem_shared>>) target(%dma_start3A_16 : memref<640x128xf32, #tpu.memory_space<hbm>>) target_semaphore(%run_scoped3A : memref<!tpu.dma_semaphore, #tpu.memory_space<semaphore_mem>>)
      %dma_wait3A = arith.constant 0 : i32
      %dma_wait3A_19 = tpu.memref_slice %arg6[%arg0, %mul3A_14, %dma_wait3A] : memref<2x10240x128xf32, #tpu.memory_space<hbm>> -> memref<1x640x128xf32, #tpu.memory_space<hbm>>
      %dma_wait3A_20 = tpu.memref_squeeze %dma_wait3A_19 : memref<1x640x128xf32, #tpu.memory_space<hbm>> -> memref<640x128xf32, #tpu.memory_space<hbm>>
      %dma_wait3A_21 = arith.constant 0 : i32
      %dma_wait3A_22 = tpu.memref_slice %arg10[%mul3A_12, %dma_wait3A_21] : memref<10240x128xf32, #tpu.memory_space<vmem_shared>> -> memref<640x128xf32, #tpu.memory_space<vmem_shared>>
      tpu.wait_dma2 semaphore(%run_scoped3A : memref<!tpu.dma_semaphore, #tpu.memory_space<semaphore_mem>>) src(%dma_wait3A_22 : memref<640x128xf32, #tpu.memory_space<vmem_shared>>) dst(%dma_wait3A_20 : memref<640x128xf32, #tpu.memory_space<hbm>>)
      tpu.yield
    }) : () -> ()
    return
  }
}

module attributes {stable_mosaic.version = 14 : i64} {
  func.func @body(%arg0: i32, %arg1: memref<2x1000x128xf32, #tpu.memory_space<vmem>>, %arg2: memref<1000x128xf32, #tpu.memory_space<vmem>>, %arg3: memref<128x128xf32, #tpu.memory_space<vmem>>, %arg4: memref<1000x128xf32, #tpu.memory_space<vmem>>, %arg5: memref<1000x1xf32, #tpu.memory_space<vmem>>) attributes {dimension_semantics = [#tpu.dimension_semantics<arbitrary>], iteration_bounds = array<i64: 10>, scalar_prefetch = 0 : i64, scratch_operands = 0 : i64, tpu.core_type = #tpu.core_type<tc>, window_params = [{transform_indices = @transform_0, window_bounds = array<i64: 2, 1000, 128>}, {transform_indices = @transform_1, window_bounds = array<i64: 1000, 128>}, {pipeline_mode = #tpu.pipeline_mode<synchronous>, transform_indices = @transform_2, window_bounds = array<i64: 128, 128>}, {transform_indices = @transform_3, window_bounds = array<i64: 1000, 128>}, {transform_indices = @transform_4, window_bounds = array<i64: 1000, 1>}]} {
    %get3A = arith.constant 0 : index
    %get3A_0 = arith.constant 0 : index
    %get3A_1 = arith.constant 0 : index
    %get3A_2 = vector.load %arg1[%get3A, %get3A_0, %get3A_1] : memref<2x1000x128xf32, #tpu.memory_space<vmem>>, vector<1x1000x128xf32>
    %get3A_3 = vector.shape_cast %get3A_2 : vector<1x1000x128xf32> to vector<1000x128xf32>
    %get3A_4 = arith.constant 1 : index
    %get3A_5 = arith.constant 0 : index
    %get3A_6 = arith.constant 0 : index
    %get3A_7 = vector.load %arg1[%get3A_4, %get3A_5, %get3A_6] : memref<2x1000x128xf32, #tpu.memory_space<vmem>>, vector<1x1000x128xf32>
    %get3A_8 = vector.shape_cast %get3A_7 : vector<1x1000x128xf32> to vector<1000x128xf32>
    %add3A = arith.addf %get3A_3, %get3A_8 : vector<1000x128xf32>
    %slice3A = vector.extract_strided_slice %add3A {offsets = [0, 0], sizes = [1000, 1], strides = [1, 1]} : vector<1000x128xf32> to vector<1000x1xf32>
    %add3A_9 = arith.constant 1.000000e+00 : f32
    %add3A_10 = vector.broadcast %add3A_9 : f32 to vector<1000x1xf32>
    %add3A_11 = arith.addf %slice3A, %add3A_10 : vector<1000x1xf32>
    %rsqrt3A = math.rsqrt %add3A_11 : vector<1000x1xf32>
    %get3A_12 = arith.constant 0 : index
    %get3A_13 = arith.constant 0 : index
    %get3A_14 = vector.load %arg2[%get3A_12, %get3A_13] : memref<1000x128xf32, #tpu.memory_space<vmem>>, vector<1000x128xf32>
    %get3A_15 = arith.constant 0 : index
    %get3A_16 = arith.constant 0 : index
    %get3A_17 = vector.load %arg3[%get3A_15, %get3A_16] : memref<128x128xf32, #tpu.memory_space<vmem>>, vector<128x128xf32>
    %dot_general3A = arith.constant dense<0.000000e+00> : vector<1000x128xf32>
    %dot_general3A_18 = tpu.matmul %get3A_14, %get3A_17, %dot_general3A {dimension_numbers = #tpu.dot_dimension_numbers<[1], [0], [0], [1], [0, 0, 1, 1], [], []>, transpose_lhs_hint = false} : vector<1000x128xf32>, vector<128x128xf32>, vector<1000x128xf32> -> vector<1000x128xf32>
    %mul3A = vector.broadcast %rsqrt3A : vector<1000x1xf32> to vector<1000x128xf32>
    %mul3A_19 = arith.mulf %mul3A, %dot_general3A_18 : vector<1000x128xf32>
    %swap3A = arith.constant 0 : index
    %swap3A_20 = arith.constant 0 : index
    %swap3A_21 = vector.load %arg4[%swap3A, %swap3A_20] : memref<1000x128xf32, #tpu.memory_space<vmem>>, vector<1000x128xf32>
    tpu.vector_store %arg4[%swap3A, %swap3A_20], %mul3A_19 {strides = array<i32>} : memref<1000x128xf32, #tpu.memory_space<vmem>>, vector<1000x128xf32>,
    %swap3A_22 = arith.constant 0 : index
    %swap3A_23 = arith.constant 0 : index
    %swap3A_24 = vector.load %arg5[%swap3A_22, %swap3A_23] : memref<1000x1xf32, #tpu.memory_space<vmem>>, vector<1000x1xf32>
    tpu.vector_store %arg5[%swap3A_22, %swap3A_23], %rsqrt3A {strides = array<i32>} : memref<1000x1xf32, #tpu.memory_space<vmem>>, vector<1000x1xf32>,
    return
  }
  func.func @transform_0(%arg0: i32) -> (i32, i32, i32) {
    %c0_i32 = arith.constant 0 : i32
    %c0_i32_0 = arith.constant 0 : i32
    %c0_i32_1 = arith.constant 0 : i32
    return %c0_i32, %arg0, %c0_i32_0 : i32, i32, i32
  }
  func.func @transform_1(%arg0: i32) -> (i32, i32) {
    %c0_i32 = arith.constant 0 : i32
    %c0_i32_0 = arith.constant 0 : i32
    return %arg0, %c0_i32 : i32, i32
  }
  func.func @transform_2(%arg0: i32) -> (i32, i32) {
    %c0_i32 = arith.constant 0 : i32
    %c0_i32_0 = arith.constant 0 : i32
    %c0_i32_1 = arith.constant 0 : i32
    return %c0_i32, %c0_i32_0 : i32, i32
  }
  func.func @transform_3(%arg0: i32) -> (i32, i32) {
    %c0_i32 = arith.constant 0 : i32
    %c0_i32_0 = arith.constant 0 : i32
    return %arg0, %c0_i32 : i32, i32
  }
  func.func @transform_4(%arg0: i32) -> (i32, i32) {
    %c0_i32 = arith.constant 0 : i32
    %c0_i32_0 = arith.constant 0 : i32
    return %arg0, %c0_i32 : i32, i32
  }
}

module attributes {stable_mosaic.version = 14 : i64} {
  func.func @body(%arg0: i32, %arg1: memref<2x1000x128xf32, #tpu.memory_space<vmem>>, %arg2: memref<1000x128xf32, #tpu.memory_space<vmem>>, %arg3: memref<1000x1xf32, #tpu.memory_space<vmem>>, %arg4: memref<1x128xf32, #tpu.memory_space<vmem>>, %arg5: memref<128x128xf32, #tpu.memory_space<vmem>>, %arg6: memref<1000x128xf32, #tpu.memory_space<vmem>>) attributes {dimension_semantics = [#tpu.dimension_semantics<arbitrary>], iteration_bounds = array<i64: 10>, scalar_prefetch = 0 : i64, scratch_operands = 0 : i64, tpu.core_type = #tpu.core_type<tc>, window_params = [{transform_indices = @transform_0, window_bounds = array<i64: 2, 1000, 128>}, {transform_indices = @transform_1, window_bounds = array<i64: 1000, 128>}, {transform_indices = @transform_2, window_bounds = array<i64: 1000, 1>}, {pipeline_mode = #tpu.pipeline_mode<synchronous>, transform_indices = @transform_3, window_bounds = array<i64: 1, 128>}, {pipeline_mode = #tpu.pipeline_mode<synchronous>, transform_indices = @transform_4, window_bounds = array<i64: 128, 128>}, {transform_indices = @transform_5, window_bounds = array<i64: 1000, 128>}]} {
    %get3A = arith.constant 0 : index
    %get3A_0 = arith.constant 0 : index
    %get3A_1 = vector.load %arg3[%get3A, %get3A_0] : memref<1000x1xf32, #tpu.memory_space<vmem>>, vector<1000x1xf32>
    %get3A_2 = arith.constant 0 : index
    %get3A_3 = arith.constant 0 : index
    %get3A_4 = arith.constant 0 : index
    %get3A_5 = vector.load %arg1[%get3A_2, %get3A_3, %get3A_4] : memref<2x1000x128xf32, #tpu.memory_space<vmem>>, vector<1x1000x128xf32>
    %get3A_6 = vector.shape_cast %get3A_5 : vector<1x1000x128xf32> to vector<1000x128xf32>
    %get3A_7 = arith.constant 1 : index
    %get3A_8 = arith.constant 0 : index
    %get3A_9 = arith.constant 0 : index
    %get3A_10 = vector.load %arg1[%get3A_7, %get3A_8, %get3A_9] : memref<2x1000x128xf32, #tpu.memory_space<vmem>>, vector<1x1000x128xf32>
    %get3A_11 = vector.shape_cast %get3A_10 : vector<1x1000x128xf32> to vector<1000x128xf32>
    %add3A = arith.addf %get3A_6, %get3A_11 : vector<1000x128xf32>
    %get3A_12 = arith.constant 0 : index
    %get3A_13 = arith.constant 0 : index
    %get3A_14 = vector.load %arg2[%get3A_12, %get3A_13] : memref<1000x128xf32, #tpu.memory_space<vmem>>, vector<1000x128xf32>
    %add3A_15 = arith.addf %add3A, %get3A_14 : vector<1000x128xf32>
    %mul3A = vector.broadcast %get3A_1 : vector<1000x1xf32> to vector<1000x128xf32>
    %mul3A_16 = arith.mulf %mul3A, %add3A_15 : vector<1000x128xf32>
    %get3A_17 = arith.constant 0 : index
    %get3A_18 = arith.constant 0 : index
    %get3A_19 = vector.load %arg4[%get3A_17, %get3A_18] : memref<1x128xf32, #tpu.memory_space<vmem>>, vector<1x128xf32>
    %add3A_20 = vector.broadcast %get3A_19 : vector<1x128xf32> to vector<1000x128xf32>
    %add3A_21 = arith.addf %mul3A_16, %add3A_20 : vector<1000x128xf32>
    %max3A = arith.constant 0.000000e+00 : f32
    %max3A_22 = vector.broadcast %max3A : f32 to vector<1000x128xf32>
    %max3A_23 = arith.maximumf %add3A_21, %max3A_22 : vector<1000x128xf32>
    %get3A_24 = arith.constant 0 : index
    %get3A_25 = arith.constant 0 : index
    %get3A_26 = vector.load %arg5[%get3A_24, %get3A_25] : memref<128x128xf32, #tpu.memory_space<vmem>>, vector<128x128xf32>
    %dot_general3A = arith.constant dense<0.000000e+00> : vector<1000x128xf32>
    %dot_general3A_27 = tpu.matmul %max3A_23, %get3A_26, %dot_general3A {dimension_numbers = #tpu.dot_dimension_numbers<[1], [0], [0], [1], [0, 0, 1, 1], [], []>, transpose_lhs_hint = false} : vector<1000x128xf32>, vector<128x128xf32>, vector<1000x128xf32> -> vector<1000x128xf32>
    %mul3A_28 = vector.broadcast %get3A_1 : vector<1000x1xf32> to vector<1000x128xf32>
    %mul3A_29 = arith.mulf %mul3A_28, %dot_general3A_27 : vector<1000x128xf32>
    %swap3A = arith.constant 0 : index
    %swap3A_30 = arith.constant 0 : index
    %swap3A_31 = vector.load %arg6[%swap3A, %swap3A_30] : memref<1000x128xf32, #tpu.memory_space<vmem>>, vector<1000x128xf32>
    tpu.vector_store %arg6[%swap3A, %swap3A_30], %mul3A_29 {strides = array<i32>} : memref<1000x128xf32, #tpu.memory_space<vmem>>, vector<1000x128xf32>,
    return
  }
  func.func @transform_0(%arg0: i32) -> (i32, i32, i32) {
    %c0_i32 = arith.constant 0 : i32
    %c0_i32_0 = arith.constant 0 : i32
    %c0_i32_1 = arith.constant 0 : i32
    return %c0_i32, %arg0, %c0_i32_0 : i32, i32, i32
  }
  func.func @transform_1(%arg0: i32) -> (i32, i32) {
    %c0_i32 = arith.constant 0 : i32
    %c0_i32_0 = arith.constant 0 : i32
    return %arg0, %c0_i32 : i32, i32
  }
  func.func @transform_2(%arg0: i32) -> (i32, i32) {
    %c0_i32 = arith.constant 0 : i32
    %c0_i32_0 = arith.constant 0 : i32
    return %arg0, %c0_i32 : i32, i32
  }
  func.func @transform_3(%arg0: i32) -> (i32, i32) {
    %c0_i32 = arith.constant 0 : i32
    %c0_i32_0 = arith.constant 0 : i32
    %c0_i32_1 = arith.constant 0 : i32
    return %c0_i32, %c0_i32_0 : i32, i32
  }
  func.func @transform_4(%arg0: i32) -> (i32, i32) {
    %c0_i32 = arith.constant 0 : i32
    %c0_i32_0 = arith.constant 0 : i32
    %c0_i32_1 = arith.constant 0 : i32
    return %c0_i32, %c0_i32_0 : i32, i32
  }
  func.func @transform_5(%arg0: i32) -> (i32, i32) {
    %c0_i32 = arith.constant 0 : i32
    %c0_i32_0 = arith.constant 0 : i32
    return %arg0, %c0_i32 : i32, i32
  }
}

module attributes {stable_mosaic.version = 14 : i64} {
  func.func @body(%arg0: i32, %arg1: memref<2x1000x128xf32, #tpu.memory_space<vmem>>, %arg2: memref<1000x128xf32, #tpu.memory_space<vmem>>, %arg3: memref<1000x1xf32, #tpu.memory_space<vmem>>, %arg4: memref<1x64xf32, #tpu.memory_space<vmem>>, %arg5: memref<1000x64xf32, #tpu.memory_space<vmem>>) attributes {dimension_semantics = [#tpu.dimension_semantics<arbitrary>], iteration_bounds = array<i64: 10>, scalar_prefetch = 0 : i64, scratch_operands = 0 : i64, tpu.core_type = #tpu.core_type<tc>, window_params = [{transform_indices = @transform_0, window_bounds = array<i64: 2, 1000, 128>}, {transform_indices = @transform_1, window_bounds = array<i64: 1000, 128>}, {transform_indices = @transform_2, window_bounds = array<i64: 1000, 1>}, {pipeline_mode = #tpu.pipeline_mode<synchronous>, transform_indices = @transform_3, window_bounds = array<i64: 1, 64>}, {transform_indices = @transform_4, window_bounds = array<i64: 1000, 64>}]} {
    %get3A = arith.constant 0 : index
    %get3A_0 = arith.constant 0 : index
    %get3A_1 = vector.load %arg3[%get3A, %get3A_0] : memref<1000x1xf32, #tpu.memory_space<vmem>>, vector<1000x1xf32>
    %get3A_2 = arith.constant 0 : index
    %get3A_3 = arith.constant 0 : index
    %get3A_4 = arith.constant 0 : index
    %get3A_5 = vector.load %arg1[%get3A_2, %get3A_3, %get3A_4] : memref<2x1000x128xf32, #tpu.memory_space<vmem>>, vector<1x1000x128xf32>
    %get3A_6 = vector.shape_cast %get3A_5 : vector<1x1000x128xf32> to vector<1000x128xf32>
    %get3A_7 = arith.constant 1 : index
    %get3A_8 = arith.constant 0 : index
    %get3A_9 = arith.constant 0 : index
    %get3A_10 = vector.load %arg1[%get3A_7, %get3A_8, %get3A_9] : memref<2x1000x128xf32, #tpu.memory_space<vmem>>, vector<1x1000x128xf32>
    %get3A_11 = vector.shape_cast %get3A_10 : vector<1x1000x128xf32> to vector<1000x128xf32>
    %add3A = arith.addf %get3A_6, %get3A_11 : vector<1000x128xf32>
    %get3A_12 = arith.constant 0 : index
    %get3A_13 = arith.constant 0 : index
    %get3A_14 = vector.load %arg2[%get3A_12, %get3A_13] : memref<1000x128xf32, #tpu.memory_space<vmem>>, vector<1000x128xf32>
    %add3A_15 = arith.addf %add3A, %get3A_14 : vector<1000x128xf32>
    %mul3A = vector.broadcast %get3A_1 : vector<1000x1xf32> to vector<1000x128xf32>
    %mul3A_16 = arith.mulf %mul3A, %add3A_15 : vector<1000x128xf32>
    %slice3A = vector.extract_strided_slice %mul3A_16 {offsets = [0, 0], sizes = [1000, 64], strides = [1, 1]} : vector<1000x128xf32> to vector<1000x64xf32>
    %get3A_17 = arith.constant 0 : index
    %get3A_18 = arith.constant 0 : index
    %get3A_19 = vector.load %arg4[%get3A_17, %get3A_18] : memref<1x64xf32, #tpu.memory_space<vmem>>, vector<1x64xf32>
    %add3A_20 = vector.broadcast %get3A_19 : vector<1x64xf32> to vector<1000x64xf32>
    %add3A_21 = arith.addf %slice3A, %add3A_20 : vector<1000x64xf32>
    %swap3A = arith.constant 0 : index
    %swap3A_22 = arith.constant 0 : index
    %swap3A_23 = vector.load %arg5[%swap3A, %swap3A_22] : memref<1000x64xf32, #tpu.memory_space<vmem>>, vector<1000x64xf32>
    tpu.vector_store %arg5[%swap3A, %swap3A_22], %add3A_21 {strides = array<i32>} : memref<1000x64xf32, #tpu.memory_space<vmem>>, vector<1000x64xf32>,
    return
  }
  func.func @transform_0(%arg0: i32) -> (i32, i32, i32) {
    %c0_i32 = arith.constant 0 : i32
    %c0_i32_0 = arith.constant 0 : i32
    %c0_i32_1 = arith.constant 0 : i32
    return %c0_i32, %arg0, %c0_i32_0 : i32, i32, i32
  }
  func.func @transform_1(%arg0: i32) -> (i32, i32) {
    %c0_i32 = arith.constant 0 : i32
    %c0_i32_0 = arith.constant 0 : i32
    return %arg0, %c0_i32 : i32, i32
  }
  func.func @transform_2(%arg0: i32) -> (i32, i32) {
    %c0_i32 = arith.constant 0 : i32
    %c0_i32_0 = arith.constant 0 : i32
    return %arg0, %c0_i32 : i32, i32
  }
  func.func @transform_3(%arg0: i32) -> (i32, i32) {
    %c0_i32 = arith.constant 0 : i32
    %c0_i32_0 = arith.constant 0 : i32
    %c0_i32_1 = arith.constant 0 : i32
    return %c0_i32, %c0_i32_0 : i32, i32
  }
  func.func @transform_4(%arg0: i32) -> (i32, i32) {
    %c0_i32 = arith.constant 0 : i32
    %c0_i32_0 = arith.constant 0 : i32
    return %arg0, %c0_i32 : i32, i32
  }
}

</mosaic_0001>

<sc_bundles>
// kernel: kernel.11.cloned.1.call-start
scs
__scs_entry_jumppad:
0x0: {  	(pc) =	sbr.rel $0x88, $3  }
0x1: {  	(tag) =	ssettag $0x0;
	lr =	simm.s32 $0x1  }
0x2: {  	[smem:$0x3F9B] =	sst lr;
	_ =	strace $0xD0000000  }
0x3: {  	_ = 	snop  }
0x4: {  	_ = 	snop  }
0x5: {  	_ = 	snop  }
0x6: {  	_ = 	snop  }
0x7: {  	_ = 	snop  }
__scs_overlays_trampoline_lowered:
0x8: {  	[smem:$0x3FAA] =	sst s0  }
0x9: {  	[smem:$0x3FAB] =	sst s1  }
0xa: {  	[smem:$0x3FAC] =	sst s2  }
0xb: {  	[smem:$0x3FAD] =	sst s3  }
0xc: {  	[smem:$0x3FAE] =	sst s4  }
0xd: {  	[smem:$0x3FAF] =	sst s5  }
0xe: {  	[smem:$0x3FB0] =	sst s6  }
0xf: {  	[smem:$0x3FB1] =	sst s7  }
0x10: {  	[smem:$0x3FB2] =	sst s8  }
0x11: {  	[smem:$0x3FB3] =	sst s9;
	s0 =	simm.s32 @!p0 $0x0  }
0x12: {  	s1 =	sld [smem:$0x3F99];
	s0 =	simm.s32 @p0 $0x1  }
0x13: {  	[smem:$0x3FB4] =	sst s0;
	s0 =	simm.s32 @!p1 $0x0  }
0x14: {  	s2 =	sld [smem:$0x3F98];
	s0 =	simm.s32 @p1 $0x1  }
0x15: {  	[smem:$0x3FB5] =	sst s0;
	s0 =	simm.s32 @!p2 $0x0  }
0x16: {  	s3 =	sld [smem:$0x3FDB];
	s0 =	simm.s32 @p2 $0x1  }
0x17: {  	s4 =	simm.s32 $0x1BF5;
	[smem:$0x3FB7] =	sst s0  }
0x18: {  	s0 =	sld [smem:$0x3F9A];
	_ =	swait.ge [sflag:s4], $0x0  }
0x19: {  	s7 =	sld [smem:$0x3F9B]  }
0x1a: {  	s8 =	sadd.s32 $0xFFFFE003, lr  }
0x1b: {  	s9 =	sadd.s32 $0xFFFFFEF7, lr;
	s5 =	simm.s32 $0xFFFFFFFF;
	p2 =	slt.u32 s8, $0xFFFFF086  }
0x1c: {  	p1 =	slt.u32 s9, $0xF7A;
	s5 =	simm.s32 @!p2 $0x0  }
0x1d: {  	s5 =	simm.s32 @p1 $0x1;
	p0 =	seq.s32 s7, s2  }
0x1e: {  	s7 =	smul.u32 @!p0 $0xF7A, s2;
	p2 =	seq.s32 @!p0 s5, $0x0  }
0x1f: {  	s9 =	smul.u32 $0xF7A, s1;
	s8 =	simm.s32 @!p0 $0x1BF5;
	p2 =	por !p2, p0  }
0x20: {  	[sflag:s8] =	ssyncset.s32 @!p0 $0xFFFFF086;
	s6 =	sadd.s32 @!p0 s3, s7;
	s7 =	simm.s32 @!p0 $0x108  }
0x21: {  	s3 =	sadd.s32 s3, s9;
	s6 =	sadd.s32 @!p0 $0x88, s6;
	s7 =	simm.s32 @p2 $0x1082  }
0x22: {  	[simem:s7], [sflag:s8] =	dma.local @!p0 [hbm:s6], $0xF7A  }
0x23: {  	s9 =	sor.u32 $0xD0000000, s2;
	s6 =	simm.s32 $0x108;
	_ =	swait.ge @!p0 [sflag:s8], $0x0  }
0x24: {  	s3 =	sadd.s32 $0x88, s3;
	s6 =	simm.s32 @!p1 $0x1082;
	[sflag:s4] =	ssyncset.s32 $0xFFFFF086  }
0x25: {  	[simem:s6], [sflag:s4] =	dma.local [hbm:s3], $0xF7A  }
0x26: {  	[smem:$0x3F9B] =	sst s1;
	(tag) =	ssettag s2;
	_ =	strace s9  }
0x27: {  	s1 =	sld [smem:$0x3FAB]  }
0x28: {  	s2 =	sld [smem:$0x3FAC]  }
0x29: {  	s4 =	sld [smem:$0x3FAE]  }
0x2a: {  	p0 =	seq.s32 s5, $0x0;
	s5 =	sld [smem:$0x3FAF]  }
0x2b: {  	s6 =	sld [smem:$0x3FB0]  }
0x2c: {  	s7 =	sld [smem:$0x3FB1]  }
0x2d: {  	s3 =	simm.s32 $0x108;
	s8 =	sld [smem:$0x3FB2]  }
0x2e: {  	s3 =	simm.s32 @!p0 $0x1082;
	s9 =	sld [smem:$0x3FB3]  }
0x2f: {  	lr =	sadd.s32 s0, s3;
	s0 =	sld [smem:$0x3FAA]  }
0x30: {  	s3 =	sld [smem:$0x3FAD]  }
0x31: {  	[smem:$0x3FB6] =	sst s10  }
0x32: {  	s10 =	sld [smem:$0x3FB4];
	_ =	sdelay $0x3  }
0x33: {  	p0 =	seq.s32 s10, $0x1;
	s10 =	sld [smem:$0x3FB6];
	_ =	sdelay $0x3  }
0x34: {  	[smem:$0x3FB6] =	sst s10  }
0x35: {  	s10 =	sld [smem:$0x3FB5];
	_ =	sdelay $0x3  }
0x36: {  	p1 =	seq.s32 s10, $0x1;
	s10 =	sld [smem:$0x3FB6];
	_ =	sdelay $0x3  }
0x37: {  	[smem:$0x3FB6] =	sst s10  }
0x38: {  	s10 =	sld [smem:$0x3FB7]  }
0x39: {  	_ = 	snop;
	(pc) =	sbr.ind lr, $3  }
0x3a: {  	_ = 	snop  }
0x3b: {  	_ = 	snop  }
0x3c: {  	p2 =	seq.s32 s10, $0x1;
	s10 =	sld [smem:$0x3FB6]  }
0x3d: {  	_ =	shalt  }
0x3e: {  	_ =	shalt  }
0x3f: {  	_ =	shalt  }
0x40: {  	_ =	shalt  }
0x41: {  	_ =	shalt  }
0x42: {  	_ =	shalt  }
0x43: {  	_ =	shalt  }
0x44: {  	_ =	shalt  }
0x45: {  	_ =	shalt  }
0x46: {  	_ =	shalt  }
0x47: {  	_ =	shalt  }
0x48: {  	_ =	shalt  }
0x49: {  	_ =	shalt  }
0x4a: {  	_ =	shalt  }
0x4b: {  	_ =	shalt  }
0x4c: {  	_ =	shalt  }
0x4d: {  	_ =	shalt  }
0x4e: {  	_ =	shalt  }
0x4f: {  	_ =	shalt  }
0x50: {  	_ =	shalt  }
0x51: {  	_ =	shalt  }
0x52: {  	_ =	shalt  }
0x53: {  	_ =	shalt  }
0x54: {  	_ =	shalt  }
0x55: {  	_ =	shalt  }
0x56: {  	_ =	shalt  }
0x57: {  	_ =	shalt  }
0x58: {  	_ =	shalt  }
0x59: {  	_ =	shalt  }
0x5a: {  	_ =	shalt  }
0x5b: {  	_ =	shalt  }
0x5c: {  	_ =	shalt  }
0x5d: {  	_ =	shalt  }
0x5e: {  	_ =	shalt  }
0x5f: {  	_ =	shalt  }
0x60: {  	_ =	shalt  }
0x61: {  	_ =	shalt  }
0x62: {  	_ =	shalt  }
0x63: {  	_ =	shalt  }
0x64: {  	_ =	shalt  }
0x65: {  	_ =	shalt  }
0x66: {  	_ =	shalt  }
0x67: {  	_ =	shalt  }
0x68: {  	_ =	shalt  }
0x69: {  	_ =	shalt  }
0x6a: {  	_ =	shalt  }
0x6b: {  	_ =	shalt  }
0x6c: {  	_ =	shalt  }
0x6d: {  	_ =	shalt  }
0x6e: {  	_ =	shalt  }
0x6f: {  	_ =	shalt  }
0x70: {  	_ =	shalt  }
0x71: {  	_ =	shalt  }
0x72: {  	_ =	shalt  }
0x73: {  	_ =	shalt  }
0x74: {  	_ =	shalt  }
0x75: {  	_ =	shalt  }
0x76: {  	_ =	shalt  }
0x77: {  	_ =	shalt  }
0x78: {  	_ =	shalt  }
0x79: {  	_ =	shalt  }
0x7a: {  	_ =	shalt  }
0x7b: {  	_ =	shalt  }
0x7c: {  	_ =	shalt  }
0x7d: {  	_ =	shalt  }
0x7e: {  	_ =	shalt  }
0x7f: {  	_ =	shalt  }
0x80: {  	_ =	shalt  }
0x81: {  	_ =	shalt  }
0x82: {  	_ =	shalt  }
0x83: {  	_ =	shalt  }
0x84: {  	_ =	shalt  }
0x85: {  	_ =	shalt  }
0x86: {  	_ =	shalt  }
0x87: {  	_ =	shalt  }
.Lfunc_end0:
.L_simem_size_0:
called_computation.1_lowered:
.L_overlay_start_0:
0x88: {  	s2 =	sld [smem:$0x3FD9]  }
0x89: {  	s3 =	sld [smem:$0x3FFE];
	_ =	sdelay $0x1  }
0x8a: {  	s1 =	srdreg.scid  }
0x8b: {  	s0 =	sand.u32 $0x1, s1  }
0x8c: {  	s17 =	sshll.u32 s0, $0xA;
	s2 =	sadd.s32 s3, s2  }
0x8d: {  	s2 =	sadd.s32 s2, s17  }
0x8e: {  	[smem:$0x3FC2] =	sst s2  }
0x8f: {  	_ = 	snop  }
0x90: {  	s2 =	sld [smem:$0x3FD0];
	(tm) =	ssettm $0x1  }
0x91: {  	s18 =	sld [smem:$0x3FFB];
	_ =	sdelay $0x3  }
0x92: {  	_ =	strace s18  }
0x93: {  	s3 =	sld [smem:$0x3FFC];
	_ =	sdelay $0x3  }
0x94: {  	_ =	strace s3  }
0x95: {  	s3 =	sld [smem:$0x3FFD];
	_ =	sdelay $0x3  }
0x96: {  	_ =	strace s3  }
0x97: {  	_ =	strace $0x8FFFFFFF  }
0x98: {  	s19 =	sld [smem:$0x3FDB];
	_ =	sdelay $0x1  }
0x99: {  	s4 =	simm.s32 $_scs_section_size  }
0x9a: {  	s5 =	simm.s32 $_size__tile_overlayer_lowered;
	s6 =	simm.s32 $_tile_overlayer_lowered  }
0x9b: {  	s22 =	simm.s32 $0x1BFF;
	s21 =	sshll.u32 s6, $0x1;
	s3 =	sadd.s32 s4, s19  }
0x9c: {  	s7 =	simm.s32 $0x0;
	s20 =	sshll.u32 s5, $0x1;
	s5 =	sadd.s32 s21, s3  }
0x9d: {  	[timem:s7], [sflag:s22] =	dma.local [hbm:s5], s20  }
0x9e: {  	_ =	swait.ge [sflag:s22], s20  }
0x9f: {  	s4 =	ssub.s32 $0x0, s20;
	[sflag:s22] =	ssyncset.done $0x0  }
0xa0: {  	[sflag:s22] =	ssyncadd.s32 s4;
	_ =	sdelay $0x1  }
0xa1: {  	s23 =	simm.s32 $0x1B8B  }
0xa2: {  	_ =	swait.ge [sflag:s23], $0x1  }
0xa3: {  	[sflag:s23] =	ssyncset.done $0x0  }
0xa4: {  	s25 =	simm.s32 $0x1B8E;
	s24 =	sld [smem:$0x3FFE];
	[sflag:s23] =	ssyncadd.s32 $0xFFFFFFFF  }
0xa5: {  	s26 =	simm.s32 $execute0_lowered;
	[smem:$0x3FD2] =	sst s25  }
0xa6: {  	s5 =	sshll.u32 s26, $0x1;
	_ =	strace $0x80000049;
	[dreg:$0x1] =	wrdreg $0xFFFFFFFF  }
0xa7: {  	s28 =	simm.s32 $_size_execute0_lowered;
	s3 =	sadd.s32 s3, s5;
	[dreg:$0x0] =	wrdreg $0x0  }
0xa8: {  	s5 =	sshll.u32 s28, $0x1;
	[dreg:$0x2] =	wrdreg s3  }
0xa9: {  	[dreg:$0x3] =	wrdreg s5  }
0xaa: {  	[dreg:$0x4] =	wrdreg $0xC0  }
0xab: {  	_ =	task [dreg:s7], $0x5FFFF  }
0xac: {  	[dreg:$0x1] =	wrdreg $0xFFFFFFFF  }
0xad: {  	[dreg:$0x0] =	wrdreg $0x60  }
0xae: {  	[dreg:$0x2] =	wrdreg s24  }
0xaf: {  	[dreg:$0x3] =	wrdreg s2  }
0xb0: {  	[dreg:$0x4] =	wrdreg $0xA8000  }
0xb1: {  	[dreg:$0x5] =	wrdreg $0x9  }
0xb2: {  	_ =	task.clear_ibuf [dreg:s7], $0x6FFFF;
	_ =	strace $0x90000049  }
0xb3: {  	s29 =	simm.s32 $0x9;
	_ =	strace $0x8000004B  }
0xb4: {  	_ =	swait.ge [sflag:s29], $0x1  }
0xb5: {  	[sflag:s29] =	ssyncadd.s32 $0xFFFFFFFF  }
0xb6: {  	_ =	strace $0x9000004B  }
0xb7: {  	_ =	sfence  }
0xb8: {  	s30 =	sld [smem:$0x0];
	_ =	sdelay $0x2  }
0xb9: {  	s31 =	sshll.u32 s1, $0xD;
	s1 =	sshrl.u32 s1, $0x2  }
0xba: {  	s3 =	sand.u32 $0x4000, s31;
	s1 =	sadd.s32 s1, s30  }
0xbb: {  	s0 =	sor.u32 s3, s0;
	s1 =	sshll.u32 s1, $0x11  }
0xbc: {  	s0 =	sor.u32 s1, s0  }
0xbd: {  	s0 =	sadd.s32 $0x8F2B, s0  }
0xbe: {  	[sflag:s0] =	ssyncadd.remote.s32 $0x1  }
0xbf: {  	_ =	sfence.sel $0xFFFF  }
0xc0: {  	[dreg:$0x0] =	wrdreg $0xFFFFFFFF;
	(pc) =	sbr.abs _section_cstart, $3  }
0xc1: {  	[dreg:$0x1] =	wrdreg $0xFFFFFFFF  }
0xc2: {  	_ =	task.clear_ibuf [dreg:s7], $0x2FFFF;
	_ =	strace $0x9FFFFFFF  }
0xc3: {  	(tm) =	ssettm $0x7FFFFFFF  }
tec
execute0_lowered:
.L_overlay_start_1:
0x0: {  	(tag) =	ssettag $0x1  }
0x1: {  	s5 =	rddreg [dreg:$0x0]  }
0x2: {  	s12 =	rddreg [dreg:$0x1]  }
0x3: {  	s2 =	rddreg [dreg:$0x2]  }
0x4: {  	s0 =	rddreg [dreg:$0x3]  }
0x5: {  	s1 =	stileid.u32;
	s4 =	srdreg.scid;
	s3 =	simm.s32 $0x0  }
0x6: {  	s16 =	simm.s32 $0x2800;
	s17 =	simm.s32 $0x1;
	s18 =	simm.s32 $0x2780  }
0x7: {  	s19 =	simm.s32 $0x6800;
	s20 =	simm.s32 $0x0;
	s6 =	smul.u32 $0x14000, s1  }
0x8: {  	s7 =	sand.u32 $0x1, s4;
	[smem:$0x7FF] =	sst s3;
	s4 =	sadd.s32 $0x2AC00, s5  }
0x9: {  	s11 =	sadd.s32 $0x7AC00, s5;
	s13 =	sshll.u32 s1, $0x1;
	s14 =	smul.u32 $0x50000, s1  }
0xa: {  	s28 =	sshll.u32 s1, $0x6;
	s8 =	smul.u32 $0x140000, s7;
	_ =	strace $0x8000004A  }
0xb: {  	s24 =	ssub.s32 $0x2, s7;
	s25 =	sor.u32 s7, s13;
	s9 =	sshrl.u32 s6, $0x3  }
0xc: {  	s10 =	sshrl.u32 s24, $0x1;
	s26 =	sshrl.u32 s14, $0x2;
	s29 =	smul.u32 $0x500, s25  }
0xd: {  	s14 =	simm.s32 $0x2;
	s6 =	sadd.s32 s6, s8;
	s23 =	sadd.s32 s9, s5  }
0xe: {  	s9 =	ssub.s32 s24, s10;
	s30 =	sadd.s32 s26, s2;
	s6 =	sshrl.u32 s6, $0x3  }
0xf: {  	s8 =	smax.u32 s9, $0x1;
	s31 =	sadd.s32 $0x280, s29;
	s9 =	sadd.s32 s11, s29  }
0x10: {  	s10 =	sadd.s32 s12, s29;
	s13 =	sshrl.u32 s30, $0x3;
	s15 =	sadd.s32 s6, s5  }
0x11: {  	s5 =	sadd.s32 $0x2C00, s23;
	s6 =	sor.u32 $0x1C02, s28;
	s11 =	sadd.s32 s11, s31  }
0x12: {  	s12 =	sadd.s32 s12, s31;
	s7 =	sadd.s32 $0x84C00, s15;
	s15 =	simm.s32 $0x7D  }
.LBB2_1:
0x13: {  	[spmem:s13], [sflag:s6] =	dma.local [hbm:s5], $0x2800  }
0x14: {  	_ =	swait.ge [sflag:s14], $0x2800  }
0x15: {  	[sflag:s14] =	ssyncset.done $0x0  }
0x16: {  	[sflag:s14] =	ssyncadd.s32 $0xFFFFD800  }
0x17: {  	[bflag:$0x0] =	sbarrier.arrive $0xFFFF  }
0x18: {  	[tilespmem:s3], [sflag:$0x2] =	stream.linear.gather [hbm4b:s9+s3], $0x1400, $0x38;
	[tilespmem:$0x1E800] =	vst v63  }
0x19: {  	_ =	swait.ge [sflag:s14], $0x1400  }
0x1a: {  	[sflag:s14] =	ssyncset.done $0x0  }
0x1b: {  	s21 =	simm.s32 $0x1400;
	[sflag:s14] =	ssyncadd.s32 $0xFFFFEC00  }
0x1c: {  	[tilespmem:s21], [sflag:$0x2] =	stream.linear.gather [hbm4b:s10+s3], $0x1400, $0x38;
	[tilespmem:$0x1E800] =	vst v63  }
0x1d: {  	_ =	swait.ge [sflag:s14], $0x1400  }
0x1e: {  	[sflag:s14] =	ssyncset.done $0x0  }
0x1f: {  	[sflag:s14] =	ssyncadd.s32 $0xFFFFEC00  }
0x20: {  	[tilespmem:s16], [sflag:$0x1] =	stream.indirect.gather [hbm4b:s4+s15], $0x80, s3, s15, $0xb8;
	[tilespmem:$0x1E800] =	vst v63  }
0x21: {  	s22 =	simm.s32 $0x0;
	_ =	swait.ge [sflag:s17], $0x3E80  }
0x22: {  	s23 =	sand.u32 $0x4000, s22;
	[sflag:s17] =	ssyncset.done $0x0  }
0x23: {  	s22 =	simm.s32 $0x80;
	s24 =	sxor.u32 $0x6800, s23;
	[sflag:s17] =	ssyncadd.s32 $0xFFFFC180  }
0x24: {  	[tilespmem:s24], [sflag:$0x1] =	stream.indirect.gather [hbm4b:s4+s15], $0x80, s22, s15, $0xb8;
	[tilespmem:$0x1E800] =	vst v63  }
0x25: {  	s23 =	sor.u32 $0x2800, s23  }
0x26: {  	[spmem:s2] =	stream.indirect.scatter.add.f32 [tilespmem:s23], [sflag:$0x2], $0x80, s21, s15, $0xb8;
	[tilespmem:$0x1E800] =	vst v63  }
0x27: {  	_ =	swait.ge [sflag:s14], $0x3E80  }
0x28: {  	s23 =	simm.s32 $0x1;
	[sflag:s14] =	ssyncset.done $0x0  }
.LBB2_2:
0x29: {  	[sflag:s14] =	ssyncadd.s32 $0xFFFFC180;
	s21 =	sadd.s32 $0x80, s21;
	s22 =	sadd.s32 $0x80, s22  }
0x2a: {  	p0 =	sne.s32 s23, $0x26;
	s24 =	smov.u32 s23;
	s23 =	sadd.s32 $0x1, s23  }
0x2b: {  	s24 =	sshll.u32 s24, $0xE;
	_ =	swait.ge [sflag:s17], $0x3E80  }
0x2c: {  	s24 =	sand.u32 $0x4000, s24;
	[sflag:s17] =	ssyncset.done $0x0  }
0x2d: {  	s25 =	sxor.u32 $0x6800, s24;
	[sflag:s17] =	ssyncadd.s32 $0xFFFFC180  }
0x2e: {  	[tilespmem:s25], [sflag:$0x1] =	stream.indirect.gather [hbm4b:s4+s15], $0x80, s22, s15, $0xb8;
	[tilespmem:$0x1E800] =	vst v63  }
.Ltmp0:
0x2f: {  	_ = 	snop;
	(pc) =	sbr.rel @p0 .LBB2_2-.Ltmp0, $4  }
0x30: {  	s24 =	sor.u32 $0x2800, s24  }
0x31: {  	[spmem:s2] =	stream.indirect.scatter.add.f32 [tilespmem:s24], [sflag:$0x2], $0x80, s21, s15, $0xb8;
	[tilespmem:$0x1E800] =	vst v63  }
0x32: {  	_ =	swait.ge [sflag:s14], $0x3E80  }
0x33: {  	[sflag:s14] =	ssyncset.done $0x0  }
0x34: {  	[sflag:s14] =	ssyncadd.s32 $0xFFFFC180  }
0x35: {  	_ =	swait.ge [sflag:s17], $0x3E80  }
0x36: {  	[sflag:s17] =	ssyncset.done $0x0  }
0x37: {  	[sflag:s17] =	ssyncadd.s32 $0xFFFFC180  }
0x38: {  	[spmem:s2] =	stream.indirect.scatter.add.f32 [tilespmem:s19], [sflag:$0x2], $0x80, s18, s15, $0xb8;
	[tilespmem:$0x1E800] =	vst v63  }
0x39: {  	_ =	swait.ge [sflag:s14], $0x3E80  }
0x3a: {  	[sflag:s14] =	ssyncset.done $0x0  }
0x3b: {  	s22 =	simm.s32 $0x0;
	[sflag:s14] =	ssyncadd.s32 $0xFFFFC180  }
0x3c: {  	[tilespmem:s22], [sflag:$0x2] =	stream.linear.gather [hbm4b:s11+s22], $0x1400, $0x38;
	[tilespmem:$0x1E800] =	vst v63  }
0x3d: {  	_ =	swait.ge [sflag:s14], $0x1400  }
0x3e: {  	[sflag:s14] =	ssyncset.done $0x0  }
0x3f: {  	s21 =	simm.s32 $0x1400;
	[sflag:s14] =	ssyncadd.s32 $0xFFFFEC00  }
0x40: {  	[tilespmem:s21], [sflag:$0x2] =	stream.linear.gather [hbm4b:s12+s22], $0x1400, $0x38;
	[tilespmem:$0x1E800] =	vst v63  }
0x41: {  	_ =	swait.ge [sflag:s14], $0x1400  }
0x42: {  	[sflag:s14] =	ssyncset.done $0x0  }
0x43: {  	[sflag:s14] =	ssyncadd.s32 $0xFFFFEC00  }
0x44: {  	[tilespmem:s16], [sflag:$0x1] =	stream.indirect.gather [hbm4b:s4+s15], $0x80, s22, s15, $0xb8;
	[tilespmem:$0x1E800] =	vst v63  }
0x45: {  	s31 =	simm.s32 $0x0;
	_ =	swait.ge [sflag:s17], $0x3E80  }
0x46: {  	s23 =	sand.u32 $0x4000, s31;
	[sflag:s17] =	ssyncset.done $0x0  }
0x47: {  	s24 =	sxor.u32 $0x6800, s23;
	s22 =	simm.s32 $0x80;
	[sflag:s17] =	ssyncadd.s32 $0xFFFFC180  }
0x48: {  	[tilespmem:s24], [sflag:$0x1] =	stream.indirect.gather [hbm4b:s4+s15], $0x80, s22, s15, $0xb8;
	[tilespmem:$0x1E800] =	vst v63  }
0x49: {  	s23 =	sor.u32 $0x2800, s23  }
0x4a: {  	[spmem:s2] =	stream.indirect.scatter.add.f32 [tilespmem:s23], [sflag:$0x2], $0x80, s21, s15, $0xb8;
	[tilespmem:$0x1E800] =	vst v63  }
0x4b: {  	_ =	swait.ge [sflag:s14], $0x3E80  }
0x4c: {  	s23 =	simm.s32 $0x1;
	[sflag:s14] =	ssyncset.done $0x0  }
.LBB2_4:
0x4d: {  	[sflag:s14] =	ssyncadd.s32 $0xFFFFC180;
	s21 =	sadd.s32 $0x80, s21;
	s22 =	sadd.s32 $0x80, s22  }
0x4e: {  	p0 =	sne.s32 s23, $0x26;
	s24 =	smov.u32 s23;
	s23 =	sadd.s32 $0x1, s23  }
0x4f: {  	s24 =	sshll.u32 s24, $0xE;
	_ =	swait.ge [sflag:s17], $0x3E80  }
0x50: {  	s24 =	sand.u32 $0x4000, s24;
	[sflag:s17] =	ssyncset.done $0x0  }
0x51: {  	s25 =	sxor.u32 $0x6800, s24;
	[sflag:s17] =	ssyncadd.s32 $0xFFFFC180  }
0x52: {  	[tilespmem:s25], [sflag:$0x1] =	stream.indirect.gather [hbm4b:s4+s15], $0x80, s22, s15, $0xb8;
	[tilespmem:$0x1E800] =	vst v63  }
.Ltmp1:
0x53: {  	_ = 	snop;
	(pc) =	sbr.rel @p0 .LBB2_4-.Ltmp1, $4  }
0x54: {  	s24 =	sor.u32 $0x2800, s24  }
0x55: {  	[spmem:s2] =	stream.indirect.scatter.add.f32 [tilespmem:s24], [sflag:$0x2], $0x80, s21, s15, $0xb8;
	[tilespmem:$0x1E800] =	vst v63  }
0x56: {  	_ =	swait.ge [sflag:s14], $0x3E80  }
0x57: {  	[sflag:s14] =	ssyncset.done $0x0  }
0x58: {  	[sflag:s14] =	ssyncadd.s32 $0xFFFFC180  }
0x59: {  	_ =	swait.ge [sflag:s17], $0x3E80  }
0x5a: {  	[sflag:s17] =	ssyncset.done $0x0  }
0x5b: {  	[sflag:s17] =	ssyncadd.s32 $0xFFFFC180  }
0x5c: {  	[spmem:s2] =	stream.indirect.scatter.add.f32 [tilespmem:s19], [sflag:$0x2], $0x80, s18, s15, $0xb8;
	[tilespmem:$0x1E800] =	vst v63  }
0x5d: {  	_ =	swait.ge [sflag:s14], $0x3E80  }
0x5e: {  	s20 =	sadd.s32 $0x1, s20;
	[sflag:s14] =	ssyncset.done $0x0  }
0x5f: {  	p0 =	sne.s32 s20, s8;
	[sflag:s14] =	ssyncadd.s32 $0xFFFFC180  }
.Ltmp2:
0x60: {  	[bflag:$0x0] =	sbarrier.arrive $0xFFFF;
	(pc) =	sbr.rel @p0 .LBB2_1-.Ltmp2, $4  }
0x61: {  	[hbm:s7], [sflag:s6] =	dma.local [spmem:s13], $0x2800  }
0x62: {  	_ =	swait.ge [sflag:s14], $0x2800  }
0x63: {  	[sflag:s14] =	ssyncset.done $0x0  }
0x64: {  	[sflag:s14] =	ssyncadd.s32 $0xFFFFD800  }
0x65: {  	_ =	sfence.sel $0x180000  }
0x66: {  	[bflag:$0x0] =	sbarrier.arrive $0xFFFF  }
0x67: {  	p0 =	sne.s32 s1, $0x0;
	_ =	strace $0x9000004A  }
0x68: {  	s0 =	sadd.s32 @!p0 $0x100000, s0;
	[bflag:$0x2] =	sbarrier.arrive $0xFFFF  }
0x69: {  	[sflag:s0] =	ssyncadd.tile.s32 @!p0 $0x1;
	_ =	shalt  }
.Lfunc_end2:
_tile_overlayer_lowered:
.L_overlay_start_2:
0x6a: {  	(tag) =	ssettag $0x2  }
0x6b: {  	s0 =	rddreg [dreg:$0x0];
	s2 =	stileid.u32  }
0x6c: {  	s1 =	rddreg [dreg:$0x1];
	p0 =	sne.s32 s2, $0x0  }
0x6d: {  	s3 =	rddreg [dreg:$0x2];
	[bflag:$0x3] =	sbarrier.arrive $0xFFFF;
	s2 =	simm.s32 @!p0 $0x1C02  }
0x6e: {  	[timem:s3], [sflag:s2] =	dma.local @!p0 [hbm:s0], s1  }
0x6f: {  	s0 =	simm.s32 @!p0 $0x2  }
0x70: {  	_ =	swait.ge @!p0 [sflag:s0], s1  }
0x71: {  	s1 =	ssub.s32 @!p0 $0x0, s1;
	[sflag:s0] =	ssyncset.done @!p0 $0x0  }
0x72: {  	[sflag:s0] =	ssyncadd.s32 @!p0 s1  }
0x73: {  	[bflag:$0x3] =	sbarrier.arrive $0xFFFF  }
0x74: {  	_ =	shalt  }

// kernel: kernel.14.cloned.1.call-start
scs
__scs_entry_jumppad:
0x0: {  	(pc) =	sbr.rel $0x88, $3  }
0x1: {  	(tag) =	ssettag $0x0;
	lr =	simm.s32 $0x1  }
0x2: {  	[smem:$0x3F9B] =	sst lr;
	_ =	strace $0xD0000000  }
0x3: {  	_ = 	snop  }
0x4: {  	_ = 	snop  }
0x5: {  	_ = 	snop  }
0x6: {  	_ = 	snop  }
0x7: {  	_ = 	snop  }
__scs_overlays_trampoline_lowered:
0x8: {  	[smem:$0x3FAA] =	sst s0  }
0x9: {  	[smem:$0x3FAB] =	sst s1  }
0xa: {  	[smem:$0x3FAC] =	sst s2  }
0xb: {  	[smem:$0x3FAD] =	sst s3  }
0xc: {  	[smem:$0x3FAE] =	sst s4  }
0xd: {  	[smem:$0x3FAF] =	sst s5  }
0xe: {  	[smem:$0x3FB0] =	sst s6  }
0xf: {  	[smem:$0x3FB1] =	sst s7  }
0x10: {  	[smem:$0x3FB2] =	sst s8  }
0x11: {  	[smem:$0x3FB3] =	sst s9;
	s0 =	simm.s32 @!p0 $0x0  }
0x12: {  	s1 =	sld [smem:$0x3F99];
	s0 =	simm.s32 @p0 $0x1  }
0x13: {  	[smem:$0x3FB4] =	sst s0;
	s0 =	simm.s32 @!p1 $0x0  }
0x14: {  	s2 =	sld [smem:$0x3F98];
	s0 =	simm.s32 @p1 $0x1  }
0x15: {  	[smem:$0x3FB5] =	sst s0;
	s0 =	simm.s32 @!p2 $0x0  }
0x16: {  	s3 =	sld [smem:$0x3FDB];
	s0 =	simm.s32 @p2 $0x1  }
0x17: {  	s4 =	simm.s32 $0x1BF5;
	[smem:$0x3FB7] =	sst s0  }
0x18: {  	s0 =	sld [smem:$0x3F9A];
	_ =	swait.ge [sflag:s4], $0x0  }
0x19: {  	s7 =	sld [smem:$0x3F9B]  }
0x1a: {  	s8 =	sadd.s32 $0xFFFFE003, lr  }
0x1b: {  	s9 =	sadd.s32 $0xFFFFFEF7, lr;
	s5 =	simm.s32 $0xFFFFFFFF;
	p2 =	slt.u32 s8, $0xFFFFF086  }
0x1c: {  	p1 =	slt.u32 s9, $0xF7A;
	s5 =	simm.s32 @!p2 $0x0  }
0x1d: {  	s5 =	simm.s32 @p1 $0x1;
	p0 =	seq.s32 s7, s2  }
0x1e: {  	s7 =	smul.u32 @!p0 $0xF7A, s2;
	p2 =	seq.s32 @!p0 s5, $0x0  }
0x1f: {  	s9 =	smul.u32 $0xF7A, s1;
	s8 =	simm.s32 @!p0 $0x1BF5;
	p2 =	por !p2, p0  }
0x20: {  	[sflag:s8] =	ssyncset.s32 @!p0 $0xFFFFF086;
	s6 =	sadd.s32 @!p0 s3, s7;
	s7 =	simm.s32 @!p0 $0x108  }
0x21: {  	s3 =	sadd.s32 s3, s9;
	s6 =	sadd.s32 @!p0 $0x88, s6;
	s7 =	simm.s32 @p2 $0x1082  }
0x22: {  	[simem:s7], [sflag:s8] =	dma.local @!p0 [hbm:s6], $0xF7A  }
0x23: {  	s9 =	sor.u32 $0xD0000000, s2;
	s6 =	simm.s32 $0x108;
	_ =	swait.ge @!p0 [sflag:s8], $0x0  }
0x24: {  	s3 =	sadd.s32 $0x88, s3;
	s6 =	simm.s32 @!p1 $0x1082;
	[sflag:s4] =	ssyncset.s32 $0xFFFFF086  }
0x25: {  	[simem:s6], [sflag:s4] =	dma.local [hbm:s3], $0xF7A  }
0x26: {  	[smem:$0x3F9B] =	sst s1;
	(tag) =	ssettag s2;
	_ =	strace s9  }
0x27: {  	s1 =	sld [smem:$0x3FAB]  }
0x28: {  	s2 =	sld [smem:$0x3FAC]  }
0x29: {  	s4 =	sld [smem:$0x3FAE]  }
0x2a: {  	p0 =	seq.s32 s5, $0x0;
	s5 =	sld [smem:$0x3FAF]  }
0x2b: {  	s6 =	sld [smem:$0x3FB0]  }
0x2c: {  	s7 =	sld [smem:$0x3FB1]  }
0x2d: {  	s3 =	simm.s32 $0x108;
	s8 =	sld [smem:$0x3FB2]  }
0x2e: {  	s3 =	simm.s32 @!p0 $0x1082;
	s9 =	sld [smem:$0x3FB3]  }
0x2f: {  	lr =	sadd.s32 s0, s3;
	s0 =	sld [smem:$0x3FAA]  }
0x30: {  	s3 =	sld [smem:$0x3FAD]  }
0x31: {  	[smem:$0x3FB6] =	sst s10  }
0x32: {  	s10 =	sld [smem:$0x3FB4];
	_ =	sdelay $0x3  }
0x33: {  	p0 =	seq.s32 s10, $0x1;
	s10 =	sld [smem:$0x3FB6];
	_ =	sdelay $0x3  }
0x34: {  	[smem:$0x3FB6] =	sst s10  }
0x35: {  	s10 =	sld [smem:$0x3FB5];
	_ =	sdelay $0x3  }
0x36: {  	p1 =	seq.s32 s10, $0x1;
	s10 =	sld [smem:$0x3FB6];
	_ =	sdelay $0x3  }
0x37: {  	[smem:$0x3FB6] =	sst s10  }
0x38: {  	s10 =	sld [smem:$0x3FB7]  }
0x39: {  	_ = 	snop;
	(pc) =	sbr.ind lr, $3  }
0x3a: {  	_ = 	snop  }
0x3b: {  	_ = 	snop  }
0x3c: {  	p2 =	seq.s32 s10, $0x1;
	s10 =	sld [smem:$0x3FB6]  }
0x3d: {  	_ =	shalt  }
0x3e: {  	_ =	shalt  }
0x3f: {  	_ =	shalt  }
0x40: {  	_ =	shalt  }
0x41: {  	_ =	shalt  }
0x42: {  	_ =	shalt  }
0x43: {  	_ =	shalt  }
0x44: {  	_ =	shalt  }
0x45: {  	_ =	shalt  }
0x46: {  	_ =	shalt  }
0x47: {  	_ =	shalt  }
0x48: {  	_ =	shalt  }
0x49: {  	_ =	shalt  }
0x4a: {  	_ =	shalt  }
0x4b: {  	_ =	shalt  }
0x4c: {  	_ =	shalt  }
0x4d: {  	_ =	shalt  }
0x4e: {  	_ =	shalt  }
0x4f: {  	_ =	shalt  }
0x50: {  	_ =	shalt  }
0x51: {  	_ =	shalt  }
0x52: {  	_ =	shalt  }
0x53: {  	_ =	shalt  }
0x54: {  	_ =	shalt  }
0x55: {  	_ =	shalt  }
0x56: {  	_ =	shalt  }
0x57: {  	_ =	shalt  }
0x58: {  	_ =	shalt  }
0x59: {  	_ =	shalt  }
0x5a: {  	_ =	shalt  }
0x5b: {  	_ =	shalt  }
0x5c: {  	_ =	shalt  }
0x5d: {  	_ =	shalt  }
0x5e: {  	_ =	shalt  }
0x5f: {  	_ =	shalt  }
0x60: {  	_ =	shalt  }
0x61: {  	_ =	shalt  }
0x62: {  	_ =	shalt  }
0x63: {  	_ =	shalt  }
0x64: {  	_ =	shalt  }
0x65: {  	_ =	shalt  }
0x66: {  	_ =	shalt  }
0x67: {  	_ =	shalt  }
0x68: {  	_ =	shalt  }
0x69: {  	_ =	shalt  }
0x6a: {  	_ =	shalt  }
0x6b: {  	_ =	shalt  }
0x6c: {  	_ =	shalt  }
0x6d: {  	_ =	shalt  }
0x6e: {  	_ =	shalt  }
0x6f: {  	_ =	shalt  }
0x70: {  	_ =	shalt  }
0x71: {  	_ =	shalt  }
0x72: {  	_ =	shalt  }
0x73: {  	_ =	shalt  }
0x74: {  	_ =	shalt  }
0x75: {  	_ =	shalt  }
0x76: {  	_ =	shalt  }
0x77: {  	_ =	shalt  }
0x78: {  	_ =	shalt  }
0x79: {  	_ =	shalt  }
0x7a: {  	_ =	shalt  }
0x7b: {  	_ =	shalt  }
0x7c: {  	_ =	shalt  }
0x7d: {  	_ =	shalt  }
0x7e: {  	_ =	shalt  }
0x7f: {  	_ =	shalt  }
0x80: {  	_ =	shalt  }
0x81: {  	_ =	shalt  }
0x82: {  	_ =	shalt  }
0x83: {  	_ =	shalt  }
0x84: {  	_ =	shalt  }
0x85: {  	_ =	shalt  }
0x86: {  	_ =	shalt  }
0x87: {  	_ =	shalt  }
.Lfunc_end0:
.L_simem_size_0:
called_computation.2_lowered:
.L_overlay_start_0:
0x88: {  	s2 =	sld [smem:$0x3FD9]  }
0x89: {  	s3 =	sld [smem:$0x3FFE];
	_ =	sdelay $0x1  }
0x8a: {  	s1 =	srdreg.scid  }
0x8b: {  	s0 =	sand.u32 $0x1, s1  }
0x8c: {  	s17 =	sshll.u32 s0, $0xA;
	s2 =	sadd.s32 s3, s2  }
0x8d: {  	s2 =	sadd.s32 s2, s17  }
0x8e: {  	[smem:$0x3FC2] =	sst s2  }
0x8f: {  	_ = 	snop  }
0x90: {  	s2 =	sld [smem:$0x3FD0];
	(tm) =	ssettm $0x1  }
0x91: {  	s18 =	sld [smem:$0x3FFB];
	_ =	sdelay $0x3  }
0x92: {  	_ =	strace s18  }
0x93: {  	s3 =	sld [smem:$0x3FFC];
	_ =	sdelay $0x3  }
0x94: {  	_ =	strace s3  }
0x95: {  	s3 =	sld [smem:$0x3FFD];
	_ =	sdelay $0x3  }
0x96: {  	_ =	strace s3  }
0x97: {  	_ =	strace $0x8FFFFFFF  }
0x98: {  	s19 =	sld [smem:$0x3FDB];
	_ =	sdelay $0x1  }
0x99: {  	s4 =	simm.s32 $_scs_section_size  }
0x9a: {  	s5 =	simm.s32 $_size__tile_overlayer_lowered;
	s6 =	simm.s32 $_tile_overlayer_lowered  }
0x9b: {  	s22 =	simm.s32 $0x1BFF;
	s21 =	sshll.u32 s6, $0x1;
	s3 =	sadd.s32 s4, s19  }
0x9c: {  	s7 =	simm.s32 $0x0;
	s20 =	sshll.u32 s5, $0x1;
	s5 =	sadd.s32 s21, s3  }
0x9d: {  	[timem:s7], [sflag:s22] =	dma.local [hbm:s5], s20  }
0x9e: {  	_ =	swait.ge [sflag:s22], s20  }
0x9f: {  	s4 =	ssub.s32 $0x0, s20;
	[sflag:s22] =	ssyncset.done $0x0  }
0xa0: {  	[sflag:s22] =	ssyncadd.s32 s4;
	_ =	sdelay $0x1  }
0xa1: {  	s23 =	simm.s32 $0x1B8B  }
0xa2: {  	_ =	swait.ge [sflag:s23], $0x1  }
0xa3: {  	[sflag:s23] =	ssyncset.done $0x0  }
0xa4: {  	s25 =	simm.s32 $0x1B8E;
	s24 =	sld [smem:$0x3FFE];
	[sflag:s23] =	ssyncadd.s32 $0xFFFFFFFF  }
0xa5: {  	s26 =	simm.s32 $execute0_lowered;
	[smem:$0x3FD2] =	sst s25  }
0xa6: {  	s5 =	sshll.u32 s26, $0x1;
	_ =	strace $0x8000004C;
	[dreg:$0x1] =	wrdreg $0xFFFFFFFF  }
0xa7: {  	s28 =	simm.s32 $_size_execute0_lowered;
	s3 =	sadd.s32 s3, s5;
	[dreg:$0x0] =	wrdreg $0x0  }
0xa8: {  	s5 =	sshll.u32 s28, $0x1;
	[dreg:$0x2] =	wrdreg s3  }
0xa9: {  	[dreg:$0x3] =	wrdreg s5  }
0xaa: {  	[dreg:$0x4] =	wrdreg $0xC0  }
0xab: {  	_ =	task [dreg:s7], $0x5FFFF  }
0xac: {  	[dreg:$0x1] =	wrdreg $0xFFFFFFFF  }
0xad: {  	[dreg:$0x0] =	wrdreg $0x60  }
0xae: {  	[dreg:$0x2] =	wrdreg s24  }
0xaf: {  	[dreg:$0x3] =	wrdreg s2  }
0xb0: {  	[dreg:$0x4] =	wrdreg $0xA8000  }
0xb1: {  	[dreg:$0x5] =	wrdreg $0x9  }
0xb2: {  	_ =	task.clear_ibuf [dreg:s7], $0x6FFFF;
	_ =	strace $0x9000004C  }
0xb3: {  	s29 =	simm.s32 $0x9;
	_ =	strace $0x8000004E  }
0xb4: {  	_ =	swait.ge [sflag:s29], $0x1  }
0xb5: {  	[sflag:s29] =	ssyncadd.s32 $0xFFFFFFFF  }
0xb6: {  	_ =	strace $0x9000004E  }
0xb7: {  	_ =	sfence  }
0xb8: {  	s30 =	sld [smem:$0x0];
	_ =	sdelay $0x2  }
0xb9: {  	s31 =	sshll.u32 s1, $0xD;
	s1 =	sshrl.u32 s1, $0x2  }
0xba: {  	s3 =	sand.u32 $0x4000, s31;
	s1 =	sadd.s32 s1, s30  }
0xbb: {  	s0 =	sor.u32 s3, s0;
	s1 =	sshll.u32 s1, $0x11  }
0xbc: {  	s0 =	sor.u32 s1, s0  }
0xbd: {  	s0 =	sadd.s32 $0x8F2B, s0  }
0xbe: {  	[sflag:s0] =	ssyncadd.remote.s32 $0x1  }
0xbf: {  	_ =	sfence.sel $0xFFFF  }
0xc0: {  	[dreg:$0x0] =	wrdreg $0xFFFFFFFF;
	(pc) =	sbr.abs _section_cstart, $3  }
0xc1: {  	[dreg:$0x1] =	wrdreg $0xFFFFFFFF  }
0xc2: {  	_ =	task.clear_ibuf [dreg:s7], $0x2FFFF;
	_ =	strace $0x9FFFFFFF  }
0xc3: {  	(tm) =	ssettm $0x7FFFFFFF  }
tec
execute0_lowered:
.L_overlay_start_1:
0x0: {  	(tag) =	ssettag $0x1  }
0x1: {  	s5 =	rddreg [dreg:$0x0]  }
0x2: {  	s12 =	rddreg [dreg:$0x1]  }
0x3: {  	s2 =	rddreg [dreg:$0x2]  }
0x4: {  	s0 =	rddreg [dreg:$0x3]  }
0x5: {  	s1 =	stileid.u32;
	s4 =	srdreg.scid;
	s3 =	simm.s32 $0x0  }
0x6: {  	s16 =	simm.s32 $0x2800;
	s17 =	simm.s32 $0x1;
	s18 =	simm.s32 $0x2780  }
0x7: {  	s19 =	simm.s32 $0x6800;
	s20 =	simm.s32 $0x0;
	s6 =	smul.u32 $0x14000, s1  }
0x8: {  	s7 =	sand.u32 $0x1, s4;
	[smem:$0x7FF] =	sst s3;
	s4 =	sadd.s32 $0x2AC00, s5  }
0x9: {  	s11 =	sadd.s32 $0x7AC00, s5;
	s13 =	sshll.u32 s1, $0x1;
	s14 =	smul.u32 $0x50000, s1  }
0xa: {  	s28 =	sshll.u32 s1, $0x6;
	s8 =	smul.u32 $0x140000, s7;
	_ =	strace $0x8000004D  }
0xb: {  	s24 =	ssub.s32 $0x2, s7;
	s25 =	sor.u32 s7, s13;
	s9 =	sshrl.u32 s6, $0x3  }
0xc: {  	s10 =	sshrl.u32 s24, $0x1;
	s26 =	sshrl.u32 s14, $0x2;
	s29 =	smul.u32 $0x500, s25  }
0xd: {  	s14 =	simm.s32 $0x2;
	s6 =	sadd.s32 s6, s8;
	s23 =	sadd.s32 s9, s5  }
0xe: {  	s9 =	ssub.s32 s24, s10;
	s30 =	sadd.s32 s26, s2;
	s6 =	sshrl.u32 s6, $0x3  }
0xf: {  	s8 =	smax.u32 s9, $0x1;
	s31 =	sadd.s32 $0x280, s29;
	s9 =	sadd.s32 s11, s29  }
0x10: {  	s10 =	sadd.s32 s12, s29;
	s13 =	sshrl.u32 s30, $0x3;
	s15 =	sadd.s32 s6, s5  }
0x11: {  	s5 =	sadd.s32 $0x2C00, s23;
	s6 =	sor.u32 $0x1C02, s28;
	s11 =	sadd.s32 s11, s31  }
0x12: {  	s12 =	sadd.s32 s12, s31;
	s7 =	sadd.s32 $0x84C00, s15;
	s15 =	simm.s32 $0x7D  }
.LBB2_1:
0x13: {  	[spmem:s13], [sflag:s6] =	dma.local [hbm:s5], $0x2800  }
0x14: {  	_ =	swait.ge [sflag:s14], $0x2800  }
0x15: {  	[sflag:s14] =	ssyncset.done $0x0  }
0x16: {  	[sflag:s14] =	ssyncadd.s32 $0xFFFFD800  }
0x17: {  	[bflag:$0x0] =	sbarrier.arrive $0xFFFF  }
0x18: {  	[tilespmem:s3], [sflag:$0x2] =	stream.linear.gather [hbm4b:s9+s3], $0x1400, $0x38;
	[tilespmem:$0x1E800] =	vst v63  }
0x19: {  	_ =	swait.ge [sflag:s14], $0x1400  }
0x1a: {  	[sflag:s14] =	ssyncset.done $0x0  }
0x1b: {  	s21 =	simm.s32 $0x1400;
	[sflag:s14] =	ssyncadd.s32 $0xFFFFEC00  }
0x1c: {  	[tilespmem:s21], [sflag:$0x2] =	stream.linear.gather [hbm4b:s10+s3], $0x1400, $0x38;
	[tilespmem:$0x1E800] =	vst v63  }
0x1d: {  	_ =	swait.ge [sflag:s14], $0x1400  }
0x1e: {  	[sflag:s14] =	ssyncset.done $0x0  }
0x1f: {  	[sflag:s14] =	ssyncadd.s32 $0xFFFFEC00  }
0x20: {  	[tilespmem:s16], [sflag:$0x1] =	stream.indirect.gather [hbm4b:s4+s15], $0x80, s3, s15, $0xb8;
	[tilespmem:$0x1E800] =	vst v63  }
0x21: {  	s22 =	simm.s32 $0x0;
	_ =	swait.ge [sflag:s17], $0x3E80  }
0x22: {  	s23 =	sand.u32 $0x4000, s22;
	[sflag:s17] =	ssyncset.done $0x0  }
0x23: {  	s22 =	simm.s32 $0x80;
	s24 =	sxor.u32 $0x6800, s23;
	[sflag:s17] =	ssyncadd.s32 $0xFFFFC180  }
0x24: {  	[tilespmem:s24], [sflag:$0x1] =	stream.indirect.gather [hbm4b:s4+s15], $0x80, s22, s15, $0xb8;
	[tilespmem:$0x1E800] =	vst v63  }
0x25: {  	s23 =	sor.u32 $0x2800, s23  }
0x26: {  	[spmem:s2] =	stream.indirect.scatter.add.f32 [tilespmem:s23], [sflag:$0x2], $0x80, s21, s15, $0xb8;
	[tilespmem:$0x1E800] =	vst v63  }
0x27: {  	_ =	swait.ge [sflag:s14], $0x3E80  }
0x28: {  	s23 =	simm.s32 $0x1;
	[sflag:s14] =	ssyncset.done $0x0  }
.LBB2_2:
0x29: {  	[sflag:s14] =	ssyncadd.s32 $0xFFFFC180;
	s21 =	sadd.s32 $0x80, s21;
	s22 =	sadd.s32 $0x80, s22  }
0x2a: {  	p0 =	sne.s32 s23, $0x26;
	s24 =	smov.u32 s23;
	s23 =	sadd.s32 $0x1, s23  }
0x2b: {  	s24 =	sshll.u32 s24, $0xE;
	_ =	swait.ge [sflag:s17], $0x3E80  }
0x2c: {  	s24 =	sand.u32 $0x4000, s24;
	[sflag:s17] =	ssyncset.done $0x0  }
0x2d: {  	s25 =	sxor.u32 $0x6800, s24;
	[sflag:s17] =	ssyncadd.s32 $0xFFFFC180  }
0x2e: {  	[tilespmem:s25], [sflag:$0x1] =	stream.indirect.gather [hbm4b:s4+s15], $0x80, s22, s15, $0xb8;
	[tilespmem:$0x1E800] =	vst v63  }
.Ltmp0:
0x2f: {  	_ = 	snop;
	(pc) =	sbr.rel @p0 .LBB2_2-.Ltmp0, $4  }
0x30: {  	s24 =	sor.u32 $0x2800, s24  }
0x31: {  	[spmem:s2] =	stream.indirect.scatter.add.f32 [tilespmem:s24], [sflag:$0x2], $0x80, s21, s15, $0xb8;
	[tilespmem:$0x1E800] =	vst v63  }
0x32: {  	_ =	swait.ge [sflag:s14], $0x3E80  }
0x33: {  	[sflag:s14] =	ssyncset.done $0x0  }
0x34: {  	[sflag:s14] =	ssyncadd.s32 $0xFFFFC180  }
0x35: {  	_ =	swait.ge [sflag:s17], $0x3E80  }
0x36: {  	[sflag:s17] =	ssyncset.done $0x0  }
0x37: {  	[sflag:s17] =	ssyncadd.s32 $0xFFFFC180  }
0x38: {  	[spmem:s2] =	stream.indirect.scatter.add.f32 [tilespmem:s19], [sflag:$0x2], $0x80, s18, s15, $0xb8;
	[tilespmem:$0x1E800] =	vst v63  }
0x39: {  	_ =	swait.ge [sflag:s14], $0x3E80  }
0x3a: {  	[sflag:s14] =	ssyncset.done $0x0  }
0x3b: {  	s22 =	simm.s32 $0x0;
	[sflag:s14] =	ssyncadd.s32 $0xFFFFC180  }
0x3c: {  	[tilespmem:s22], [sflag:$0x2] =	stream.linear.gather [hbm4b:s11+s22], $0x1400, $0x38;
	[tilespmem:$0x1E800] =	vst v63  }
0x3d: {  	_ =	swait.ge [sflag:s14], $0x1400  }
0x3e: {  	[sflag:s14] =	ssyncset.done $0x0  }
0x3f: {  	s21 =	simm.s32 $0x1400;
	[sflag:s14] =	ssyncadd.s32 $0xFFFFEC00  }
0x40: {  	[tilespmem:s21], [sflag:$0x2] =	stream.linear.gather [hbm4b:s12+s22], $0x1400, $0x38;
	[tilespmem:$0x1E800] =	vst v63  }
0x41: {  	_ =	swait.ge [sflag:s14], $0x1400  }
0x42: {  	[sflag:s14] =	ssyncset.done $0x0  }
0x43: {  	[sflag:s14] =	ssyncadd.s32 $0xFFFFEC00  }
0x44: {  	[tilespmem:s16], [sflag:$0x1] =	stream.indirect.gather [hbm4b:s4+s15], $0x80, s22, s15, $0xb8;
	[tilespmem:$0x1E800] =	vst v63  }
0x45: {  	s31 =	simm.s32 $0x0;
	_ =	swait.ge [sflag:s17], $0x3E80  }
0x46: {  	s23 =	sand.u32 $0x4000, s31;
	[sflag:s17] =	ssyncset.done $0x0  }
0x47: {  	s24 =	sxor.u32 $0x6800, s23;
	s22 =	simm.s32 $0x80;
	[sflag:s17] =	ssyncadd.s32 $0xFFFFC180  }
0x48: {  	[tilespmem:s24], [sflag:$0x1] =	stream.indirect.gather [hbm4b:s4+s15], $0x80, s22, s15, $0xb8;
	[tilespmem:$0x1E800] =	vst v63  }
0x49: {  	s23 =	sor.u32 $0x2800, s23  }
0x4a: {  	[spmem:s2] =	stream.indirect.scatter.add.f32 [tilespmem:s23], [sflag:$0x2], $0x80, s21, s15, $0xb8;
	[tilespmem:$0x1E800] =	vst v63  }
0x4b: {  	_ =	swait.ge [sflag:s14], $0x3E80  }
0x4c: {  	s23 =	simm.s32 $0x1;
	[sflag:s14] =	ssyncset.done $0x0  }
.LBB2_4:
0x4d: {  	[sflag:s14] =	ssyncadd.s32 $0xFFFFC180;
	s21 =	sadd.s32 $0x80, s21;
	s22 =	sadd.s32 $0x80, s22  }
0x4e: {  	p0 =	sne.s32 s23, $0x26;
	s24 =	smov.u32 s23;
	s23 =	sadd.s32 $0x1, s23  }
0x4f: {  	s24 =	sshll.u32 s24, $0xE;
	_ =	swait.ge [sflag:s17], $0x3E80  }
0x50: {  	s24 =	sand.u32 $0x4000, s24;
	[sflag:s17] =	ssyncset.done $0x0  }
0x51: {  	s25 =	sxor.u32 $0x6800, s24;
	[sflag:s17] =	ssyncadd.s32 $0xFFFFC180  }
0x52: {  	[tilespmem:s25], [sflag:$0x1] =	stream.indirect.gather [hbm4b:s4+s15], $0x80, s22, s15, $0xb8;
	[tilespmem:$0x1E800] =	vst v63  }
.Ltmp1:
0x53: {  	_ = 	snop;
	(pc) =	sbr.rel @p0 .LBB2_4-.Ltmp1, $4  }
0x54: {  	s24 =	sor.u32 $0x2800, s24  }
0x55: {  	[spmem:s2] =	stream.indirect.scatter.add.f32 [tilespmem:s24], [sflag:$0x2], $0x80, s21, s15, $0xb8;
	[tilespmem:$0x1E800] =	vst v63  }
0x56: {  	_ =	swait.ge [sflag:s14], $0x3E80  }
0x57: {  	[sflag:s14] =	ssyncset.done $0x0  }
0x58: {  	[sflag:s14] =	ssyncadd.s32 $0xFFFFC180  }
0x59: {  	_ =	swait.ge [sflag:s17], $0x3E80  }
0x5a: {  	[sflag:s17] =	ssyncset.done $0x0  }
0x5b: {  	[sflag:s17] =	ssyncadd.s32 $0xFFFFC180  }
0x5c: {  	[spmem:s2] =	stream.indirect.scatter.add.f32 [tilespmem:s19], [sflag:$0x2], $0x80, s18, s15, $0xb8;
	[tilespmem:$0x1E800] =	vst v63  }
0x5d: {  	_ =	swait.ge [sflag:s14], $0x3E80  }
0x5e: {  	s20 =	sadd.s32 $0x1, s20;
	[sflag:s14] =	ssyncset.done $0x0  }
0x5f: {  	p0 =	sne.s32 s20, s8;
	[sflag:s14] =	ssyncadd.s32 $0xFFFFC180  }
.Ltmp2:
0x60: {  	[bflag:$0x0] =	sbarrier.arrive $0xFFFF;
	(pc) =	sbr.rel @p0 .LBB2_1-.Ltmp2, $4  }
0x61: {  	[hbm:s7], [sflag:s6] =	dma.local [spmem:s13], $0x2800  }
0x62: {  	_ =	swait.ge [sflag:s14], $0x2800  }
0x63: {  	[sflag:s14] =	ssyncset.done $0x0  }
0x64: {  	[sflag:s14] =	ssyncadd.s32 $0xFFFFD800  }
0x65: {  	_ =	sfence.sel $0x180000  }
0x66: {  	[bflag:$0x0] =	sbarrier.arrive $0xFFFF  }
0x67: {  	p0 =	sne.s32 s1, $0x0;
	_ =	strace $0x9000004D  }
0x68: {  	s0 =	sadd.s32 @!p0 $0x100000, s0;
	[bflag:$0x2] =	sbarrier.arrive $0xFFFF  }
0x69: {  	[sflag:s0] =	ssyncadd.tile.s32 @!p0 $0x1;
	_ =	shalt  }
.Lfunc_end2:
_tile_overlayer_lowered:
.L_overlay_start_2:
0x6a: {  	(tag) =	ssettag $0x2  }
0x6b: {  	s0 =	rddreg [dreg:$0x0];
	s2 =	stileid.u32  }
0x6c: {  	s1 =	rddreg [dreg:$0x1];
	p0 =	sne.s32 s2, $0x0  }
0x6d: {  	s3 =	rddreg [dreg:$0x2];
	[bflag:$0x3] =	sbarrier.arrive $0xFFFF;
	s2 =	simm.s32 @!p0 $0x1C02  }
0x6e: {  	[timem:s3], [sflag:s2] =	dma.local @!p0 [hbm:s0], s1  }
0x6f: {  	s0 =	simm.s32 @!p0 $0x2  }
0x70: {  	_ =	swait.ge @!p0 [sflag:s0], s1  }
0x71: {  	s1 =	ssub.s32 @!p0 $0x0, s1;
	[sflag:s0] =	ssyncset.done @!p0 $0x0  }
0x72: {  	[sflag:s0] =	ssyncadd.s32 @!p0 s1  }
0x73: {  	[bflag:$0x3] =	sbarrier.arrive $0xFFFF  }
0x74: {  	_ =	shalt  }

// kernel: kernel.8.cloned.1.call-start
scs
__scs_entry_jumppad:
0x0: {  	(pc) =	sbr.rel $0x88, $3  }
0x1: {  	(tag) =	ssettag $0x0;
	lr =	simm.s32 $0x1  }
0x2: {  	[smem:$0x3F9B] =	sst lr;
	_ =	strace $0xD0000000  }
0x3: {  	_ = 	snop  }
0x4: {  	_ = 	snop  }
0x5: {  	_ = 	snop  }
0x6: {  	_ = 	snop  }
0x7: {  	_ = 	snop  }
__scs_overlays_trampoline_lowered:
0x8: {  	[smem:$0x3FAA] =	sst s0  }
0x9: {  	[smem:$0x3FAB] =	sst s1  }
0xa: {  	[smem:$0x3FAC] =	sst s2  }
0xb: {  	[smem:$0x3FAD] =	sst s3  }
0xc: {  	[smem:$0x3FAE] =	sst s4  }
0xd: {  	[smem:$0x3FAF] =	sst s5  }
0xe: {  	[smem:$0x3FB0] =	sst s6  }
0xf: {  	[smem:$0x3FB1] =	sst s7  }
0x10: {  	[smem:$0x3FB2] =	sst s8  }
0x11: {  	[smem:$0x3FB3] =	sst s9;
	s0 =	simm.s32 @!p0 $0x0  }
0x12: {  	s1 =	sld [smem:$0x3F99];
	s0 =	simm.s32 @p0 $0x1  }
0x13: {  	[smem:$0x3FB4] =	sst s0;
	s0 =	simm.s32 @!p1 $0x0  }
0x14: {  	s2 =	sld [smem:$0x3F98];
	s0 =	simm.s32 @p1 $0x1  }
0x15: {  	[smem:$0x3FB5] =	sst s0;
	s0 =	simm.s32 @!p2 $0x0  }
0x16: {  	s3 =	sld [smem:$0x3FDB];
	s0 =	simm.s32 @p2 $0x1  }
0x17: {  	s4 =	simm.s32 $0x1BF5;
	[smem:$0x3FB7] =	sst s0  }
0x18: {  	s0 =	sld [smem:$0x3F9A];
	_ =	swait.ge [sflag:s4], $0x0  }
0x19: {  	s7 =	sld [smem:$0x3F9B]  }
0x1a: {  	s8 =	sadd.s32 $0xFFFFE003, lr  }
0x1b: {  	s9 =	sadd.s32 $0xFFFFFEF7, lr;
	s5 =	simm.s32 $0xFFFFFFFF;
	p2 =	slt.u32 s8, $0xFFFFF086  }
0x1c: {  	p1 =	slt.u32 s9, $0xF7A;
	s5 =	simm.s32 @!p2 $0x0  }
0x1d: {  	s5 =	simm.s32 @p1 $0x1;
	p0 =	seq.s32 s7, s2  }
0x1e: {  	s7 =	smul.u32 @!p0 $0xF7A, s2;
	p2 =	seq.s32 @!p0 s5, $0x0  }
0x1f: {  	s9 =	smul.u32 $0xF7A, s1;
	s8 =	simm.s32 @!p0 $0x1BF5;
	p2 =	por !p2, p0  }
0x20: {  	[sflag:s8] =	ssyncset.s32 @!p0 $0xFFFFF086;
	s6 =	sadd.s32 @!p0 s3, s7;
	s7 =	simm.s32 @!p0 $0x108  }
0x21: {  	s3 =	sadd.s32 s3, s9;
	s6 =	sadd.s32 @!p0 $0x88, s6;
	s7 =	simm.s32 @p2 $0x1082  }
0x22: {  	[simem:s7], [sflag:s8] =	dma.local @!p0 [hbm:s6], $0xF7A  }
0x23: {  	s9 =	sor.u32 $0xD0000000, s2;
	s6 =	simm.s32 $0x108;
	_ =	swait.ge @!p0 [sflag:s8], $0x0  }
0x24: {  	s3 =	sadd.s32 $0x88, s3;
	s6 =	simm.s32 @!p1 $0x1082;
	[sflag:s4] =	ssyncset.s32 $0xFFFFF086  }
0x25: {  	[simem:s6], [sflag:s4] =	dma.local [hbm:s3], $0xF7A  }
0x26: {  	[smem:$0x3F9B] =	sst s1;
	(tag) =	ssettag s2;
	_ =	strace s9  }
0x27: {  	s1 =	sld [smem:$0x3FAB]  }
0x28: {  	s2 =	sld [smem:$0x3FAC]  }
0x29: {  	s4 =	sld [smem:$0x3FAE]  }
0x2a: {  	p0 =	seq.s32 s5, $0x0;
	s5 =	sld [smem:$0x3FAF]  }
0x2b: {  	s6 =	sld [smem:$0x3FB0]  }
0x2c: {  	s7 =	sld [smem:$0x3FB1]  }
0x2d: {  	s3 =	simm.s32 $0x108;
	s8 =	sld [smem:$0x3FB2]  }
0x2e: {  	s3 =	simm.s32 @!p0 $0x1082;
	s9 =	sld [smem:$0x3FB3]  }
0x2f: {  	lr =	sadd.s32 s0, s3;
	s0 =	sld [smem:$0x3FAA]  }
0x30: {  	s3 =	sld [smem:$0x3FAD]  }
0x31: {  	[smem:$0x3FB6] =	sst s10  }
0x32: {  	s10 =	sld [smem:$0x3FB4];
	_ =	sdelay $0x3  }
0x33: {  	p0 =	seq.s32 s10, $0x1;
	s10 =	sld [smem:$0x3FB6];
	_ =	sdelay $0x3  }
0x34: {  	[smem:$0x3FB6] =	sst s10  }
0x35: {  	s10 =	sld [smem:$0x3FB5];
	_ =	sdelay $0x3  }
0x36: {  	p1 =	seq.s32 s10, $0x1;
	s10 =	sld [smem:$0x3FB6];
	_ =	sdelay $0x3  }
0x37: {  	[smem:$0x3FB6] =	sst s10  }
0x38: {  	s10 =	sld [smem:$0x3FB7]  }
0x39: {  	_ = 	snop;
	(pc) =	sbr.ind lr, $3  }
0x3a: {  	_ = 	snop  }
0x3b: {  	_ = 	snop  }
0x3c: {  	p2 =	seq.s32 s10, $0x1;
	s10 =	sld [smem:$0x3FB6]  }
0x3d: {  	_ =	shalt  }
0x3e: {  	_ =	shalt  }
0x3f: {  	_ =	shalt  }
0x40: {  	_ =	shalt  }
0x41: {  	_ =	shalt  }
0x42: {  	_ =	shalt  }
0x43: {  	_ =	shalt  }
0x44: {  	_ =	shalt  }
0x45: {  	_ =	shalt  }
0x46: {  	_ =	shalt  }
0x47: {  	_ =	shalt  }
0x48: {  	_ =	shalt  }
0x49: {  	_ =	shalt  }
0x4a: {  	_ =	shalt  }
0x4b: {  	_ =	shalt  }
0x4c: {  	_ =	shalt  }
0x4d: {  	_ =	shalt  }
0x4e: {  	_ =	shalt  }
0x4f: {  	_ =	shalt  }
0x50: {  	_ =	shalt  }
0x51: {  	_ =	shalt  }
0x52: {  	_ =	shalt  }
0x53: {  	_ =	shalt  }
0x54: {  	_ =	shalt  }
0x55: {  	_ =	shalt  }
0x56: {  	_ =	shalt  }
0x57: {  	_ =	shalt  }
0x58: {  	_ =	shalt  }
0x59: {  	_ =	shalt  }
0x5a: {  	_ =	shalt  }
0x5b: {  	_ =	shalt  }
0x5c: {  	_ =	shalt  }
0x5d: {  	_ =	shalt  }
0x5e: {  	_ =	shalt  }
0x5f: {  	_ =	shalt  }
0x60: {  	_ =	shalt  }
0x61: {  	_ =	shalt  }
0x62: {  	_ =	shalt  }
0x63: {  	_ =	shalt  }
0x64: {  	_ =	shalt  }
0x65: {  	_ =	shalt  }
0x66: {  	_ =	shalt  }
0x67: {  	_ =	shalt  }
0x68: {  	_ =	shalt  }
0x69: {  	_ =	shalt  }
0x6a: {  	_ =	shalt  }
0x6b: {  	_ =	shalt  }
0x6c: {  	_ =	shalt  }
0x6d: {  	_ =	shalt  }
0x6e: {  	_ =	shalt  }
0x6f: {  	_ =	shalt  }
0x70: {  	_ =	shalt  }
0x71: {  	_ =	shalt  }
0x72: {  	_ =	shalt  }
0x73: {  	_ =	shalt  }
0x74: {  	_ =	shalt  }
0x75: {  	_ =	shalt  }
0x76: {  	_ =	shalt  }
0x77: {  	_ =	shalt  }
0x78: {  	_ =	shalt  }
0x79: {  	_ =	shalt  }
0x7a: {  	_ =	shalt  }
0x7b: {  	_ =	shalt  }
0x7c: {  	_ =	shalt  }
0x7d: {  	_ =	shalt  }
0x7e: {  	_ =	shalt  }
0x7f: {  	_ =	shalt  }
0x80: {  	_ =	shalt  }
0x81: {  	_ =	shalt  }
0x82: {  	_ =	shalt  }
0x83: {  	_ =	shalt  }
0x84: {  	_ =	shalt  }
0x85: {  	_ =	shalt  }
0x86: {  	_ =	shalt  }
0x87: {  	_ =	shalt  }
.Lfunc_end0:
.L_simem_size_0:
called_computation_lowered:
.L_overlay_start_0:
0x88: {  	s2 =	sld [smem:$0x3FD9]  }
0x89: {  	s3 =	sld [smem:$0x3FFE];
	_ =	sdelay $0x1  }
0x8a: {  	s1 =	srdreg.scid  }
0x8b: {  	s0 =	sand.u32 $0x1, s1  }
0x8c: {  	s17 =	sshll.u32 s0, $0xA;
	s2 =	sadd.s32 s3, s2  }
0x8d: {  	s2 =	sadd.s32 s2, s17  }
0x8e: {  	[smem:$0x3FC2] =	sst s2  }
0x8f: {  	_ = 	snop  }
0x90: {  	s2 =	sld [smem:$0x3FD0];
	(tm) =	ssettm $0x1  }
0x91: {  	s18 =	sld [smem:$0x3FFB];
	_ =	sdelay $0x3  }
0x92: {  	_ =	strace s18  }
0x93: {  	s3 =	sld [smem:$0x3FFC];
	_ =	sdelay $0x3  }
0x94: {  	_ =	strace s3  }
0x95: {  	s3 =	sld [smem:$0x3FFD];
	_ =	sdelay $0x3  }
0x96: {  	_ =	strace s3  }
0x97: {  	_ =	strace $0x8FFFFFFF  }
0x98: {  	s19 =	sld [smem:$0x3FDB];
	_ =	sdelay $0x1  }
0x99: {  	s4 =	simm.s32 $_scs_section_size  }
0x9a: {  	s5 =	simm.s32 $_size__tile_overlayer_lowered;
	s6 =	simm.s32 $_tile_overlayer_lowered  }
0x9b: {  	s22 =	simm.s32 $0x1BFF;
	s21 =	sshll.u32 s6, $0x1;
	s3 =	sadd.s32 s4, s19  }
0x9c: {  	s7 =	simm.s32 $0x0;
	s20 =	sshll.u32 s5, $0x1;
	s5 =	sadd.s32 s21, s3  }
0x9d: {  	[timem:s7], [sflag:s22] =	dma.local [hbm:s5], s20  }
0x9e: {  	_ =	swait.ge [sflag:s22], s20  }
0x9f: {  	s4 =	ssub.s32 $0x0, s20;
	[sflag:s22] =	ssyncset.done $0x0  }
0xa0: {  	[sflag:s22] =	ssyncadd.s32 s4;
	_ =	sdelay $0x1  }
0xa1: {  	s23 =	simm.s32 $0x1B8B  }
0xa2: {  	_ =	swait.ge [sflag:s23], $0x1  }
0xa3: {  	[sflag:s23] =	ssyncset.done $0x0  }
0xa4: {  	s25 =	simm.s32 $0x1B8E;
	s24 =	sld [smem:$0x3FFE];
	[sflag:s23] =	ssyncadd.s32 $0xFFFFFFFF  }
0xa5: {  	s26 =	simm.s32 $execute0_lowered;
	[smem:$0x3FD2] =	sst s25  }
0xa6: {  	s5 =	sshll.u32 s26, $0x1;
	_ =	strace $0x80000046;
	[dreg:$0x1] =	wrdreg $0xFFFFFFFF  }
0xa7: {  	s28 =	simm.s32 $_size_execute0_lowered;
	s3 =	sadd.s32 s3, s5;
	[dreg:$0x0] =	wrdreg $0x0  }
0xa8: {  	s5 =	sshll.u32 s28, $0x1;
	[dreg:$0x2] =	wrdreg s3  }
0xa9: {  	[dreg:$0x3] =	wrdreg s5  }
0xaa: {  	[dreg:$0x4] =	wrdreg $0xC0  }
0xab: {  	_ =	task [dreg:s7], $0x5FFFF  }
0xac: {  	[dreg:$0x1] =	wrdreg $0xFFFFFFFF  }
0xad: {  	[dreg:$0x0] =	wrdreg $0x60  }
0xae: {  	[dreg:$0x2] =	wrdreg s2  }
0xaf: {  	[dreg:$0x3] =	wrdreg s24  }
0xb0: {  	[dreg:$0x4] =	wrdreg $0x54000  }
0xb1: {  	[dreg:$0x5] =	wrdreg $0x9  }
0xb2: {  	_ =	task.clear_ibuf [dreg:s7], $0x6FFFF;
	_ =	strace $0x90000046  }
0xb3: {  	s29 =	simm.s32 $0x9;
	_ =	strace $0x80000048  }
0xb4: {  	_ =	swait.ge [sflag:s29], $0x1  }
0xb5: {  	[sflag:s29] =	ssyncadd.s32 $0xFFFFFFFF  }
0xb6: {  	_ =	strace $0x90000048  }
0xb7: {  	_ =	sfence  }
0xb8: {  	s30 =	sld [smem:$0x0];
	_ =	sdelay $0x2  }
0xb9: {  	s31 =	sshll.u32 s1, $0xD;
	s1 =	sshrl.u32 s1, $0x2  }
0xba: {  	s3 =	sand.u32 $0x4000, s31;
	s1 =	sadd.s32 s1, s30  }
0xbb: {  	s0 =	sor.u32 s3, s0;
	s1 =	sshll.u32 s1, $0x11  }
0xbc: {  	s0 =	sor.u32 s1, s0  }
0xbd: {  	s0 =	sadd.s32 $0x8F2B, s0  }
0xbe: {  	[sflag:s0] =	ssyncadd.remote.s32 $0x1  }
0xbf: {  	_ =	sfence.sel $0xFFFF  }
0xc0: {  	[dreg:$0x0] =	wrdreg $0xFFFFFFFF;
	(pc) =	sbr.abs _section_cstart, $3  }
0xc1: {  	[dreg:$0x1] =	wrdreg $0xFFFFFFFF  }
0xc2: {  	_ =	task.clear_ibuf [dreg:s7], $0x2FFFF;
	_ =	strace $0x9FFFFFFF  }
0xc3: {  	(tm) =	ssettm $0x7FFFFFFF  }
tec
execute0_lowered:
.L_overlay_start_1:
0x0: {  	(tag) =	ssettag $0x1  }
0x1: {  	s9 =	rddreg [dreg:$0x0]  }
0x2: {  	s5 =	rddreg [dreg:$0x1];
	s0 =	stileid.u32  }
0x3: {  	s1 =	srdreg.scid;
	s2 =	rddreg [dreg:$0x2];
	s3 =	simm.s32 $0x0  }
0x4: {  	s14 =	simm.s32 $0x7D;
	s6 =	sand.u32 $0x1, s1;
	s1 =	rddreg [dreg:$0x3]  }
0x5: {  	s15 =	simm.s32 $0x0;
	s4 =	smul.u32 $0x14000, s0;
	[smem:$0x7FF] =	sst s3  }
0x6: {  	s12 =	sshll.u32 s0, $0x1;
	s13 =	smul.u32 $0x50000, s0;
	s31 =	sshll.u32 s0, $0x6  }
0x7: {  	s7 =	smul.u32 $0x140000, s6;
	_ =	strace $0x80000047;
	s10 =	ssub.s32 $0x2, s6  }
0x8: {  	s29 =	sor.u32 s6, s12;
	s6 =	sor.u32 $0x1C01, s31;
	s8 =	sshrl.u32 s4, $0x3  }
0x9: {  	s11 =	sshrl.u32 s10, $0x1;
	s30 =	sshrl.u32 s13, $0x2;
	s12 =	smul.u32 $0x500, s29  }
0xa: {  	s8 =	sadd.s32 s8, s5;
	s7 =	sadd.s32 s4, s7;
	s4 =	sadd.s32 $0x2400, s5  }
0xb: {  	s10 =	ssub.s32 s10, s11;
	s13 =	sadd.s32 s30, s2;
	s7 =	sshrl.u32 s7, $0x3  }
0xc: {  	s9 =	sadd.s32 s9, s12;
	s11 =	sshrl.u32 s13, $0x3;
	s12 =	simm.s32 $0x1  }
0xd: {  	s13 =	simm.s32 $0x1400;
	s7 =	sadd.s32 s7, s5;
	s5 =	sadd.s32 $0x2C00, s8  }
0xe: {  	s8 =	smax.u32 s10, $0x1;
	s10 =	sadd.s32 $0x280, s9;
	s7 =	sadd.s32 $0x2AC00, s7  }
.LBB2_1:
0xf: {  	[spmem:s11], [sflag:s6] =	dma.local [hbm:s5], $0x2800  }
0x10: {  	_ =	swait.ge [sflag:s12], $0x2800  }
0x11: {  	[sflag:s12] =	ssyncset.done $0x0  }
0x12: {  	[sflag:s12] =	ssyncadd.s32 $0xFFFFD800  }
0x13: {  	[tilespmem:s13], [sflag:$0x1] =	stream.linear.gather [hbm4b:s4+s3], $0x3E80, $0x38;
	[tilespmem:$0x19400] =	vst v63  }
0x14: {  	_ =	swait.ge [sflag:s12], $0x3E80  }
0x15: {  	[sflag:s12] =	ssyncset.done $0x0  }
0x16: {  	[sflag:s12] =	ssyncadd.s32 $0xFFFFC180  }
0x17: {  	[bflag:$0x0] =	sbarrier.arrive $0xFFFF  }
0x18: {  	[tilespmem:s3], [sflag:$0x1] =	stream.linear.gather [hbm4b:s9+s3], $0x1400, $0x38;
	[tilespmem:$0x19400] =	vst v63  }
0x19: {  	_ =	swait.ge [sflag:s12], $0x1400  }
0x1a: {  	[sflag:s12] =	ssyncset.done $0x0  }
0x1b: {  	s16 =	simm.s32 $0x0;
	[sflag:s12] =	ssyncadd.s32 $0xFFFFEC00  }
0x1c: {  	[spmem:s2] =	stream.indirect.scatter.add.f32 [tilespmem:s13], [sflag:$0x1], $0x80, s16, s14, $0xb8;
	[tilespmem:$0x19400] =	vst v63  }
0x1d: {  	_ =	swait.ge [sflag:s12], $0x3E80  }
0x1e: {  	s16 =	simm.s32 $0x200;
	[sflag:s12] =	ssyncset.done $0x0  }
.LBB2_2:
0x1f: {  	s17 =	sshra.s32 s16, $0x2;
	[sflag:s12] =	ssyncadd.s32 $0xFFFFC180;
	p0 =	sne.s32 s16, $0x4E00  }
0x20: {  	[spmem:s2] =	stream.indirect.scatter.add.f32 [tilespmem:s13], [sflag:$0x1], $0x80, s17, s14, $0xb8;
	[tilespmem:$0x19400] =	vst v63  }
.Ltmp0:
0x21: {  	_ = 	snop;
	(pc) =	sbr.rel @p0 .LBB2_2-.Ltmp0, $4  }
0x22: {  	_ = 	snop  }
0x23: {  	s16 =	sadd.s32 $0x200, s16  }
0x24: {  	_ =	swait.ge [sflag:s12], $0x3E80  }
0x25: {  	[sflag:s12] =	ssyncset.done $0x0  }
0x26: {  	[sflag:s12] =	ssyncadd.s32 $0xFFFFC180;
	s16 =	simm.s32 $0x0  }
0x27: {  	[tilespmem:s16], [sflag:$0x1] =	stream.linear.gather [hbm4b:s10+s16], $0x1400, $0x38;
	[tilespmem:$0x19400] =	vst v63  }
0x28: {  	_ =	swait.ge [sflag:s12], $0x1400  }
0x29: {  	[sflag:s12] =	ssyncset.done $0x0  }
0x2a: {  	s31 =	simm.s32 $0x0;
	[sflag:s12] =	ssyncadd.s32 $0xFFFFEC00  }
0x2b: {  	[spmem:s2] =	stream.indirect.scatter.add.f32 [tilespmem:s13], [sflag:$0x1], $0x80, s31, s14, $0xb8;
	[tilespmem:$0x19400] =	vst v63  }
0x2c: {  	_ =	swait.ge [sflag:s12], $0x3E80  }
0x2d: {  	s16 =	simm.s32 $0x200;
	[sflag:s12] =	ssyncset.done $0x0  }
.LBB2_4:
0x2e: {  	s17 =	sshra.s32 s16, $0x2;
	[sflag:s12] =	ssyncadd.s32 $0xFFFFC180;
	p0 =	sne.s32 s16, $0x4E00  }
0x2f: {  	[spmem:s2] =	stream.indirect.scatter.add.f32 [tilespmem:s13], [sflag:$0x1], $0x80, s17, s14, $0xb8;
	[tilespmem:$0x19400] =	vst v63  }
.Ltmp1:
0x30: {  	_ = 	snop;
	(pc) =	sbr.rel @p0 .LBB2_4-.Ltmp1, $4  }
0x31: {  	_ = 	snop  }
0x32: {  	s16 =	sadd.s32 $0x200, s16  }
0x33: {  	_ =	swait.ge [sflag:s12], $0x3E80  }
0x34: {  	[sflag:s12] =	ssyncset.done $0x0  }
0x35: {  	s15 =	sadd.s32 $0x1, s15  }
0x36: {  	[sflag:s12] =	ssyncadd.s32 $0xFFFFC180;
	p0 =	sne.s32 s15, s8  }
.Ltmp2:
0x37: {  	[bflag:$0x0] =	sbarrier.arrive $0xFFFF;
	(pc) =	sbr.rel @p0 .LBB2_1-.Ltmp2, $4  }
0x38: {  	[hbm:s7], [sflag:s6] =	dma.local [spmem:s11], $0x2800  }
0x39: {  	_ =	swait.ge [sflag:s12], $0x2800  }
0x3a: {  	[sflag:s12] =	ssyncset.done $0x0  }
0x3b: {  	[sflag:s12] =	ssyncadd.s32 $0xFFFFD800  }
0x3c: {  	_ =	sfence.sel $0x180000  }
0x3d: {  	[bflag:$0x0] =	sbarrier.arrive $0xFFFF  }
0x3e: {  	p0 =	sne.s32 s0, $0x0;
	_ =	strace $0x90000047  }
0x3f: {  	s0 =	sadd.s32 @!p0 $0x100000, s1;
	[bflag:$0x2] =	sbarrier.arrive $0xFFFF  }
0x40: {  	[sflag:s0] =	ssyncadd.tile.s32 @!p0 $0x1;
	_ =	shalt  }
.Lfunc_end2:
_tile_overlayer_lowered:
.L_overlay_start_2:
0x41: {  	(tag) =	ssettag $0x2  }
0x42: {  	s0 =	rddreg [dreg:$0x0];
	s2 =	stileid.u32  }
0x43: {  	s1 =	rddreg [dreg:$0x1];
	p0 =	sne.s32 s2, $0x0  }
0x44: {  	s3 =	rddreg [dreg:$0x2];
	[bflag:$0x3] =	sbarrier.arrive $0xFFFF;
	s2 =	simm.s32 @!p0 $0x1C01  }
0x45: {  	[timem:s3], [sflag:s2] =	dma.local @!p0 [hbm:s0], s1  }
0x46: {  	s0 =	simm.s32 @!p0 $0x1  }
0x47: {  	_ =	swait.ge @!p0 [sflag:s0], s1  }
0x48: {  	s1 =	ssub.s32 @!p0 $0x0, s1;
	[sflag:s0] =	ssyncset.done @!p0 $0x0  }
0x49: {  	[sflag:s0] =	ssyncadd.s32 @!p0 s1  }
0x4a: {  	[bflag:$0x3] =	sbarrier.arrive $0xFFFF  }
0x4b: {  	_ =	shalt  }

</sc_bundles>
